<compile_context>
chip_gen: v7x
topology: tpu7x:2x2x1
jax: 0.10.2.dev20260603
libtpu: 0.0.44.dev20260713+nightly
codegen_flags: <defaults>
</compile_context>

<pallas_src>
import functools

import jax
import jax.numpy as jnp
from jax import lax
from jax.experimental import pallas as pl
from jax.experimental.pallas import tpu as pltpu
from jax.experimental.pallas import tpu_sc as plsc

NMS_THR = 0.5
EPS = 1e-6
PULL_W = 1.0
PUSH_W = 1.0
B, N, G = 4, 1000, 50
L = 16
NP = 1008
GP = 64
NCH = NP // L
GCH = GP // L
NEG = -1.0
IMIN = -2147483647


def _vln(x):
    bits = plsc.bitcast(x, jnp.int32)
    e = (bits >> 23) - 127
    m = plsc.bitcast((bits & 0x007FFFFF) | 0x3F800000, jnp.float32)
    big = m > 1.4142135
    m = jnp.where(big, m * 0.5, m)
    e = e + jnp.where(big, 1, 0)
    s = (m - 1.0) / (m + 1.0)
    s2 = s * s
    p = s * (2.0 + s2 * (0.6666667 + s2 * (0.4 + s2 * (0.2857143 + s2 * 0.22222222))))
    return e.astype(jnp.float32) * 0.69314718 + p


def _scalarize_f(ref, iv):
    return jnp.max(plsc.load_gather(ref, [iv]))


def _scalarize_i(ref, iv):
    return jnp.max(plsc.load_gather(ref, [iv]))


def _sdiv(a, b):
    return jnp.max(jnp.full((L,), a, jnp.float32) / jnp.full((L,), b, jnp.float32))


def _make_nms():
    mesh = plsc.VectorSubcoreMesh(core_axis_name="c", subcore_axis_name="s")
    fvec = pltpu.VMEM((NP,), jnp.float32)
    gvec = pltpu.VMEM((GP,), jnp.float32)

    @functools.partial(
        pl.kernel,
        out_type=jax.ShapeDtypeStruct((B, L), jnp.float32),
        mesh=mesh,
        compiler_params=pltpu.CompilerParams(needs_layout_passes=False),
        scratch_types=[
            fvec, fvec, fvec, fvec,
            fvec,
            fvec,
            fvec,
            fvec, fvec,
            pltpu.VMEM((NP,), jnp.int32),
            gvec, gvec, gvec, gvec,
            gvec,
            gvec, gvec, gvec, gvec,
            pltpu.VMEM((L,), jnp.float32),
        ],
    )
    def nms(px1, py1, px2, py2, ps, pgt, pgx1, pgy1, pgx2, pgy2, out,
            x1_v, y1_v, x2_v, y2_v, area_v, es_v, tvec_v, pms_v, pw_v, gt_v,
            gx1_v, gy1_v, gx2_v, gy2_v, rep_v, rx1_v, ry1_v, rx2_v, ry2_v,
            out_v):
        wid = lax.axis_index("s") * 2 + lax.axis_index("c")

        @pl.when(wid < B)
        def _():
            b = wid
            pltpu.sync_copy(px1.at[b], x1_v)
            pltpu.sync_copy(py1.at[b], y1_v)
            pltpu.sync_copy(px2.at[b], x2_v)
            pltpu.sync_copy(py2.at[b], y2_v)
            pltpu.sync_copy(ps.at[b], es_v)
            pltpu.sync_copy(pgt.at[b], gt_v)
            pltpu.sync_copy(pgx1.at[b], gx1_v)
            pltpu.sync_copy(pgy1.at[b], gy1_v)
            pltpu.sync_copy(pgx2.at[b], gx2_v)
            pltpu.sync_copy(pgy2.at[b], gy2_v)

            lanes = lax.iota(jnp.int32, L)
            zero16 = jnp.zeros((L,), jnp.float32)

            def init_g(c, carry):
                sl = pl.ds(pl.multiple_of(c * L, L), L)
                rep_v[sl] = jnp.full((L,), -1.0, jnp.float32)
                rx1_v[sl] = zero16
                ry1_v[sl] = zero16
                rx2_v[sl] = zero16
                ry2_v[sl] = zero16
                return carry

            lax.fori_loop(0, GCH, init_g, 0)

            def prep(c, carry):
                best, bidx = carry
                sl = pl.ds(pl.multiple_of(c * L, L), L)
                x1c = x1_v[sl]
                y1c = y1_v[sl]
                x2c = x2_v[sl]
                y2c = y2_v[sl]
                ac = (x2c - x1c) * (y2c - y1c)
                area_v[sl] = ac
                gc = gt_v[sl]
                bx1 = plsc.load_gather(gx1_v, [gc])
                by1 = plsc.load_gather(gy1_v, [gc])
                bx2 = plsc.load_gather(gx2_v, [gc])
                by2 = plsc.load_gather(gy2_v, [gc])
                iw = jnp.maximum(jnp.minimum(bx2, x2c) - jnp.maximum(bx1, x1c), 0.0)
                ih = jnp.maximum(jnp.minimum(by2, y2c) - jnp.maximum(by1, y1c), 0.0)
                inter = iw * ih
                ga = (bx2 - bx1) * (by2 - by1)
                iou = inter / jnp.maximum(ga + ac - inter, EPS)
                sc = es_v[sl]
                tvec_v[sl] = -_vln(EPS + iou) * sc
                pms_v[sl] = zero16
                pw_v[sl] = zero16
                idxc = lanes + c * L
                upd = (sc > best) | ((sc == best) & (idxc > bidx))
                best = jnp.where(upd, sc, best)
                bidx = jnp.where(upd, idxc, bidx)
                return best, bidx

            best0, bidx0 = plsc.parallel_loop(
                0, NCH, 1,
                carry=(jnp.full((L,), -2.0, jnp.float32),
                       jnp.full((L,), -1, jnp.int32)))(lambda c, sc: prep(c, sc))
            m0 = jnp.max(best0)
            i0 = jnp.max(jnp.where(best0 == m0, bidx0, IMIN))

            lane0 = lanes == 0
            zero16i = jnp.zeros((L,), jnp.int32)
            false16 = lanes < 0

            def body(carry):
                iv, _m, push_sum_v, push_cnt_v, pull_cnt_v, nact = carry
                xi1 = plsc.load_gather(x1_v, [iv])
                yi1 = plsc.load_gather(y1_v, [iv])
                xi2 = plsc.load_gather(x2_v, [iv])
                yi2 = plsc.load_gather(y2_v, [iv])
                ai = plsc.load_gather(area_v, [iv])
                si = plsc.load_gather(es_v, [iv])
                gv = plsc.load_gather(gt_v, [iv])
                rv = plsc.load_gather(rep_v, [gv])
                mx1 = plsc.load_gather(rx1_v, [gv])
                my1 = plsc.load_gather(ry1_v, [gv])
                mx2 = plsc.load_gather(rx2_v, [gv])
                my2 = plsc.load_gather(ry2_v, [gv])
                miw = jnp.maximum(jnp.minimum(mx2, xi2) - jnp.maximum(mx1, xi1), 0.0)
                mih = jnp.maximum(jnp.minimum(my2, yi2) - jnp.maximum(my1, yi1), 0.0)
                mint = miw * mih
                ma = (mx2 - mx1) * (my2 - my1)
                ms = jnp.maximum(mint / jnp.maximum(ma + ai - mint, EPS), EPS)
                fired_pull = rv > 0.0
                plsc.store_scatter(pms_v, [pull_cnt_v], ms, mask=lane0)
                wv = jnp.where(fired_pull, si, 0.0)
                plsc.store_scatter(pw_v, [pull_cnt_v], wv, mask=lane0)
                pull_cnt_v = pull_cnt_v + jnp.where(fired_pull, 1, 0)
                recm = lane0 & jnp.logical_not(fired_pull)
                plsc.store_scatter(rep_v, [gv], jnp.full((L,), 1.0, jnp.float32), mask=recm)
                plsc.store_scatter(rx1_v, [gv], xi1, mask=recm)
                plsc.store_scatter(ry1_v, [gv], yi1, mask=recm)
                plsc.store_scatter(rx2_v, [gv], xi2, mask=recm)
                plsc.store_scatter(ry2_v, [gv], yi2, mask=recm)
                plsc.store_scatter(es_v, [iv], jnp.full((L,), NEG, jnp.float32), mask=lane0)

                def sweep(c, scarry):
                    stv, cntv, difv, best, bidx, avv = scarry
                    sl = pl.ds(pl.multiple_of(c * L, L), L)
                    x1c = x1_v[sl]
                    y1c = y1_v[sl]
                    x2c = x2_v[sl]
                    y2c = y2_v[sl]
                    ac = area_v[sl]
                    gc = gt_v[sl]
                    tvc = tvec_v[sl]
                    esc = es_v[sl]
                    repc = plsc.load_gather(rep_v, [gc])
                    iw = jnp.maximum(jnp.minimum(x2c, xi2) - jnp.maximum(x1c, xi1), 0.0)
                    ih = jnp.maximum(jnp.minimum(y2c, yi2) - jnp.maximum(y1c, yi1), 0.0)
                    inter = iw * ih
                    iou = inter / jnp.maximum(ac + ai - inter, EPS)
                    alive = esc >= 0.0
                    ovc = alive & (iou > NMS_THR)
                    difc = ovc & (gc != gv)
                    pmc = difc & (repc < 0.0)
                    stv = stv + jnp.where(pmc, tvc, 0.0)
                    cntv = cntv + jnp.where(pmc, 1.0, 0.0)
                    difv = difv | difc
                    es_new = jnp.where(ovc, NEG, esc)
                    es_v[sl] = es_new
                    avv = avv + jnp.where(es_new >= 0.0, 1, 0)
                    idxc = lanes + c * L
                    upd = (es_new > best) | ((es_new == best) & (idxc > bidx))
                    best = jnp.where(upd, es_new, best)
                    bidx = jnp.where(upd, idxc, bidx)
                    return stv, cntv, difv, best, bidx, avv

                nch = (nact + 15) >> 4
                stv, cntv, difv, best, bidx, avv = plsc.parallel_loop(
                    0, nch, 1, unroll=2,
                    carry=(zero16, zero16, false16,
                           jnp.full((L,), -2.0, jnp.float32),
                           jnp.full((L,), -1, jnp.int32),
                           zero16i))(lambda c, sc: sweep(c, sc))
                fired = plsc.all_reduce_population_count(difv) > 0
                cnt_v = jnp.full((L,), jnp.sum(cntv), jnp.float32)
                stv_v = jnp.full((L,), jnp.sum(stv), jnp.float32)
                push_sum_v = push_sum_v + jnp.where(fired, stv_v / (cnt_v + EPS), 0.0)
                push_cnt_v = push_cnt_v + jnp.where(fired, 1.0, 0.0)
                m = jnp.max(best)
                bi = jnp.max(jnp.where(best == m, bidx, IMIN))
                iv_next = jnp.full((L,), bi, jnp.int32)
                na = jnp.sum(avv)

                def do_compact(op):
                    iv_sel, old_n = op

                    def cchunk(c, ccarry):
                        off_v, rank_v = ccarry
                        sl = pl.ds(pl.multiple_of(c * L, L), L)
                        esc = es_v[sl]
                        maskc = esc >= 0.0
                        incl = plsc.cumsum(jnp.where(maskc, 1, 0))
                        dest = off_v + incl - 1
                        plsc.store_scatter(x1_v, [dest], x1_v[sl], mask=maskc)
                        plsc.store_scatter(y1_v, [dest], y1_v[sl], mask=maskc)
                        plsc.store_scatter(x2_v, [dest], x2_v[sl], mask=maskc)
                        plsc.store_scatter(y2_v, [dest], y2_v[sl], mask=maskc)
                        plsc.store_scatter(area_v, [dest], area_v[sl], mask=maskc)
                        plsc.store_scatter(gt_v, [dest], gt_v[sl], mask=maskc)
                        plsc.store_scatter(tvec_v, [dest], tvec_v[sl], mask=maskc)
                        plsc.store_scatter(es_v, [dest], esc, mask=maskc)
                        idxc = lanes + c * L
                        rank_v = rank_v + jnp.where(maskc & (idxc < iv_sel), 1, 0)
                        off_v = off_v + plsc.all_reduce_population_count(maskc)
                        return off_v, rank_v

                    och = (old_n + 15) >> 4
                    _, rank_v = lax.fori_loop(0, och, cchunk, (zero16i, zero16i))
                    base = (na >> 4) << 4
                    rem = na - base
                    tsl = pl.ds(pl.multiple_of(base, L), L)
                    tail = es_v[tsl]
                    es_v[tsl] = jnp.where(lanes < rem, tail, NEG)
                    bi_new = jnp.sum(rank_v)
                    return jnp.full((L,), bi_new, jnp.int32), na

                def no_compact(op):
                    return op

                iv_next, nact = lax.cond(na * 4 < nact * 3, do_compact, no_compact,
                                         (iv_next, nact))
                return (iv_next, m, push_sum_v, push_cnt_v, pull_cnt_v, nact)

            def cond(carry):
                return carry[1] >= 0.0

            _, _, push_sum_v, push_cnt_v, pull_cnt_v, _ = lax.while_loop(
                cond, body,
                (jnp.full((L,), i0, jnp.int32), m0, zero16, zero16, zero16i,
                 jnp.int32(NP)))

            def pull_pass(c, acc):
                sl = pl.ds(pl.multiple_of(c * L, L), L)
                return acc + -_vln(1.0 - NMS_THR + pms_v[sl]) * pw_v[sl]

            psum = plsc.parallel_loop(
                0, NCH, 1, carry=zero16)(lambda c, acc: pull_pass(c, acc))
            pull_sum_v = jnp.full((L,), jnp.sum(psum), jnp.float32)
            pull_v = pull_sum_v / (pull_cnt_v.astype(jnp.float32) + EPS)
            push_v = push_sum_v / (push_cnt_v + EPS)
            out_v[...] = jnp.where(lanes == 0, push_v,
                                   jnp.where(lanes == 1, pull_v, 0.0))
            pltpu.sync_copy(out_v, out.at[b])

    return nms


_nms_call = _make_nms()


def kernel(gt_inds, anchor_gt_inds, gt_bboxes, proposal_list):
    del gt_inds
    p = proposal_list.astype(jnp.float32)
    pad = NP - N
    px1 = jnp.pad(p[:, :, 0], ((0, 0), (0, pad)))
    py1 = jnp.pad(p[:, :, 1], ((0, 0), (0, pad)))
    px2 = jnp.pad(p[:, :, 2], ((0, 0), (0, pad)))
    py2 = jnp.pad(p[:, :, 3], ((0, 0), (0, pad)))
    ps = jnp.pad(p[:, :, 4], ((0, 0), (0, pad)), constant_values=-1.0)
    pgt = jnp.pad(anchor_gt_inds.astype(jnp.int32), ((0, 0), (0, pad)))
    g = gt_bboxes.astype(jnp.float32)
    gpad = GP - G
    pgx1 = jnp.pad(g[:, :, 0], ((0, 0), (0, gpad)))
    pgy1 = jnp.pad(g[:, :, 1], ((0, 0), (0, gpad)))
    pgx2 = jnp.pad(g[:, :, 2], ((0, 0), (0, gpad)))
    pgy2 = jnp.pad(g[:, :, 3], ((0, 0), (0, gpad)))
    out = _nms_call(px1, py1, px2, py2, ps, pgt, pgx1, pgy1, pgx2, pgy2)
    push_t = jnp.sum(out[:, 0])
    pull_t = jnp.sum(out[:, 1])
    return jnp.stack([push_t / B * PUSH_W, pull_t / B * PULL_W])

# --- scband reference (transcript-rebuilt; emitter-appended) ---
"""Pipeline reference for scband-nmsloss2-87136296501785 (READ-ONLY COPY).

The authoritative reference and input builder live on the scoring server;
editing this copy changes nothing except your own understanding.
"""

import jax, jax.numpy as jnp
import numpy as np

NMS_THR = 0.5
EPS = 1e-6
PULL_W = 1.0
PUSH_W = 1.0
B, N, G = 4, 1000, 50

def _make_boxes(rng, n, size=1024.0):
    cx = rng.uniform(0.0, size, n); cy = rng.uniform(0.0, size, n)
    w = rng.uniform(20.0, 220.0, n); h = rng.uniform(20.0, 220.0, n)
    x1 = np.clip(cx - w / 2, 0, size); y1 = np.clip(cy - h / 2, 0, size)
    x2 = np.clip(cx + w / 2, 0, size); y2 = np.clip(cy + h / 2, 0, size)
    return np.stack([x1, y1, x2, y2], axis=1).astype(np.float32)

def setup_inputs():
    rng = np.random.RandomState(0)
    proposals = np.stack([np.concatenate([_make_boxes(rng, N), rng.uniform(0.0, 1.0, (N, 1)).astype(np.float32)], axis=1) for _ in range(B)], axis=0)
    gt_bboxes = np.stack([_make_boxes(rng, G) for _ in range(B)], axis=0)
    anchor_gt_inds = rng.randint(0, G, (B, N)).astype(np.int64)
    gt_inds = rng.randint(0, G, (B, N)).astype(np.int64)
    return {"gt_inds": jnp.asarray(gt_inds), "anchor_gt_inds": jnp.asarray(anchor_gt_inds), "gt_bboxes": jnp.asarray(gt_bboxes), "proposal_list": jnp.asarray(proposals)}

def _overlaps_np(a, b):
    lt = np.maximum(a[:, None, :2], b[None, :, :2])
    rb = np.minimum(a[:, None, 2:4], b[None, :, 2:4])
    wh = np.clip(rb - lt, 0, None)
    inter = wh[..., 0] * wh[..., 1]
    aa = (a[:, 2] - a[:, 0]) * (a[:, 3] - a[:, 1])
    ab = (b[:, 2] - b[:, 0]) * (b[:, 3] - b[:, 1])
    union = aa[:, None] + ab[None, :] - inter
    return inter / np.maximum(union, EPS)

def _overlaps_j(a, b):
    lt = jnp.maximum(a[:, None, :2], b[None, :, :2])
    rb = jnp.minimum(a[:, None, 2:4], b[None, :, 2:4])
    wh = jnp.clip(rb - lt, 0.0)
    inter = wh[..., 0] * wh[..., 1]
    aa = (a[:, 2] - a[:, 0]) * (a[:, 3] - a[:, 1])
    ab = (b[:, 2] - b[:, 0]) * (b[:, 3] - b[:, 1])
    union = aa[:, None] + ab[None, :] - inter
    return inter / jnp.maximum(union, EPS)

def _compute_traced(agi, gt_box, props_full):
    tmp_zero = jnp.mean(props_full).astype(jnp.float32) * 0.0
    n = props_full.shape[0]
    g = gt_box.shape[0]
    boxes = props_full[:, :4]
    scores = props_full[:, 4]
    pos = agi >= 0
    gt = agi
    # push_select=True: rows of the proposal-proposal IoU are detached
    iou = _overlaps_j(jax.lax.stop_gradient(boxes), boxes)
    gpi = _overlaps_j(gt_box, boxes)
    scores_sg = jax.lax.stop_gradient(scores)
    order = jnp.argsort(scores, stable=True)
    order_rev = order[::-1]
    ar = jnp.arange(n)
    gt_safe = jnp.clip(gt, 0, g - 1)
    tvec = -jnp.log(EPS + gpi[gt_safe, ar]) * scores_sg

    def body(t, st):
        alive, rec, pull_vec, push_vec, pull_cnt, push_cnt = st
        i = order_rev[t]
        active = alive[i]
        gi = gt_safe[i]
        m = rec[gi]
        has = m >= 0
        pull_fire = active & has
        ms = jnp.clip(iou[jnp.maximum(m, 0), i], EPS)
        term = -jnp.log(1.0 - NMS_THR + ms) * scores_sg[i]
        pull_vec = pull_vec.at[t].set(jnp.where(pull_fire, term, 0.0))
        pull_cnt = pull_cnt + pull_fire.astype(jnp.int32)
        rec = rec.at[gi].set(jnp.where(active & ~has, i, m))
        remaining = alive & (ar != i)
        ov = remaining & (iou[i] > NMS_THR)
        diff = ov & (gt != gt[i])
        fired = active & jnp.any(diff)
        pm = diff & (rec[gt_safe] < 0)
        cnt = jnp.sum(pm).astype(jnp.float32)
        contrib = jnp.sum(jnp.where(pm, tvec, 0.0)) / (cnt + EPS)
        push_vec = push_vec.at[t].set(jnp.where(fired, contrib, 0.0))
        push_cnt = push_cnt + fired.astype(jnp.int32)
        alive = jnp.where(active, remaining & ~ov, alive)
        return (alive, rec, pull_vec, push_vec, pull_cnt, push_cnt)

    init = (pos, jnp.full((g,), -1, dtype=order.dtype), jnp.zeros((n,), jnp.float32), jnp.zeros((n,), jnp.float32), jnp.int32(0), jnp.int32(0))
    alive, rec, pull_vec, push_vec, pull_cnt, push_cnt = jax.lax.fori_loop(0, n, body, init)
    total_pull = jnp.sum(pull_vec)
    total_push = jnp.sum(push_vec)
    pull = total_pull / (pull_cnt.astype(jnp.float32) + EPS)
    push = total_push / (push_cnt.astype(jnp.float32) + EPS)
    few = jnp.sum(pos) <= 1
    push = jnp.where(few, tmp_zero, push)
    pull = jnp.where(few, tmp_zero, pull)
    return push + tmp_zero, pull + tmp_zero

def reference(gt_inds, anchor_gt_inds, gt_bboxes, proposal_list):
    push_t = jnp.float32(0.0); pull_t = jnp.float32(0.0)
    for b in range(B):
        push, pull = _compute_traced(anchor_gt_inds[b], gt_bboxes[b], proposal_list[b])
        push_t = push_t + push; pull_t = pull_t + pull
    return jnp.stack([push_t / B * PUSH_W, pull_t / B * PULL_W])

if __name__ == "__main__":
    import jax
    _d = setup_inputs()
    print(jax.jit(kernel)(*tuple(_d.values())))

</pallas_src>

<mosaic_0001>
#map = affine_map<(d0, d1) -> (0, 0)>
module attributes {stable_mosaic.version = 14 : i64} {
  func.func @nms(%arg0: i32, %arg1: i32, %arg2: memref<4x1008xf32, #tpu.memory_space<hbm>>, %arg3: memref<4x1008xf32, #tpu.memory_space<hbm>>, %arg4: memref<4x1008xf32, #tpu.memory_space<hbm>>, %arg5: memref<4x1008xf32, #tpu.memory_space<hbm>>, %arg6: memref<4x1008xf32, #tpu.memory_space<hbm>>, %arg7: memref<4x1008xi32, #tpu.memory_space<hbm>>, %arg8: memref<4x64xf32, #tpu.memory_space<hbm>>, %arg9: memref<4x64xf32, #tpu.memory_space<hbm>>, %arg10: memref<4x64xf32, #tpu.memory_space<hbm>>, %arg11: memref<4x64xf32, #tpu.memory_space<hbm>>, %arg12: memref<4x16xf32, #tpu.memory_space<hbm>>, %arg13: memref<1008xf32, #tpu.memory_space<vmem>>, %arg14: memref<1008xf32, #tpu.memory_space<vmem>>, %arg15: memref<1008xf32, #tpu.memory_space<vmem>>, %arg16: memref<1008xf32, #tpu.memory_space<vmem>>, %arg17: memref<1008xf32, #tpu.memory_space<vmem>>, %arg18: memref<1008xf32, #tpu.memory_space<vmem>>, %arg19: memref<1008xf32, #tpu.memory_space<vmem>>, %arg20: memref<1008xf32, #tpu.memory_space<vmem>>, %arg21: memref<1008xf32, #tpu.memory_space<vmem>>, %arg22: memref<1008xi32, #tpu.memory_space<vmem>>, %arg23: memref<64xf32, #tpu.memory_space<vmem>>, %arg24: memref<64xf32, #tpu.memory_space<vmem>>, %arg25: memref<64xf32, #tpu.memory_space<vmem>>, %arg26: memref<64xf32, #tpu.memory_space<vmem>>, %arg27: memref<64xf32, #tpu.memory_space<vmem>>, %arg28: memref<64xf32, #tpu.memory_space<vmem>>, %arg29: memref<64xf32, #tpu.memory_space<vmem>>, %arg30: memref<64xf32, #tpu.memory_space<vmem>>, %arg31: memref<64xf32, #tpu.memory_space<vmem>>, %arg32: memref<16xf32, #tpu.memory_space<vmem>>) attributes {dimension_semantics = [#tpu.dimension_semantics<core_parallel>, #tpu.dimension_semantics<subcore_parallel>], iteration_bounds = array<i64: 2, 16>, scalar_prefetch = 0 : i64, scratch_operands = 20 : i64, tpu.core_type = #tpu.core_type<sc_vector_subcore>, window_params = [{transform_indices = #map}, {transform_indices = #map}, {transform_indices = #map}, {transform_indices = #map}, {transform_indices = #map}, {transform_indices = #map}, {transform_indices = #map}, {transform_indices = #map}, {transform_indices = #map}, {transform_indices = #map}, {transform_indices = #map}]} {
    %mul3A = arith.constant 2 : i32
    %mul3A_0 = arith.muli %arg1, %mul3A : i32
    %add3A = arith.addi %mul3A_0, %arg0 : i32
    %lt3A = arith.constant 4 : i32
    %lt3A_1 = arith.cmpi slt, %add3A, %lt3A : i32
    %convert_element_type3A = arith.extui %lt3A_1 : i1 to i32
    %cond3A = arith.constant 0 : i32
    %cond3A_2 = arith.cmpi ne, %convert_element_type3A, %cond3A : i32
    scf.if %cond3A_2 {
      "tpu.region"() ({
        %run_scoped3A = tpu.sem_alloc : memref<!tpu.dma_semaphore, #tpu.memory_space<semaphore_mem>>
        %dma_start3A = arith.constant 0 : i32
        %dma_start3A_66 = tpu.memref_slice %arg2[%add3A, %dma_start3A] : memref<4x1008xf32, #tpu.memory_space<hbm>> -> memref<1x1008xf32, #tpu.memory_space<hbm>>
        %dma_start3A_67 = tpu.memref_squeeze %dma_start3A_66 : memref<1x1008xf32, #tpu.memory_space<hbm>> -> memref<1008xf32, #tpu.memory_space<hbm>>
        %dma_start3A_68 = arith.constant 0 : i32
        %dma_start3A_69 = tpu.memref_slice %arg2[%add3A, %dma_start3A_68] : memref<4x1008xf32, #tpu.memory_space<hbm>> -> memref<1x1008xf32, #tpu.memory_space<hbm>>
        %dma_start3A_70 = tpu.memref_squeeze %dma_start3A_69 : memref<1x1008xf32, #tpu.memory_space<hbm>> -> memref<1008xf32, #tpu.memory_space<hbm>>
        tpu.enqueue_dma source(%dma_start3A_70 : memref<1008xf32, #tpu.memory_space<hbm>>) target(%arg13 : memref<1008xf32, #tpu.memory_space<vmem>>) target_semaphore(%run_scoped3A : memref<!tpu.dma_semaphore, #tpu.memory_space<semaphore_mem>>)
        %dma_wait3A = arith.constant 0 : i32
        %dma_wait3A_71 = tpu.memref_slice %arg2[%add3A, %dma_wait3A] : memref<4x1008xf32, #tpu.memory_space<hbm>> -> memref<1x1008xf32, #tpu.memory_space<hbm>>
        %dma_wait3A_72 = tpu.memref_squeeze %dma_wait3A_71 : memref<1x1008xf32, #tpu.memory_space<hbm>> -> memref<1008xf32, #tpu.memory_space<hbm>>
        %dma_wait3A_73 = arith.constant 0 : i32
        %dma_wait3A_74 = tpu.memref_slice %arg2[%add3A, %dma_wait3A_73] : memref<4x1008xf32, #tpu.memory_space<hbm>> -> memref<1x1008xf32, #tpu.memory_space<hbm>>
        %dma_wait3A_75 = tpu.memref_squeeze %dma_wait3A_74 : memref<1x1008xf32, #tpu.memory_space<hbm>> -> memref<1008xf32, #tpu.memory_space<hbm>>
        tpu.wait_dma2 semaphore(%run_scoped3A : memref<!tpu.dma_semaphore, #tpu.memory_space<semaphore_mem>>) src(%dma_wait3A_75 : memref<1008xf32, #tpu.memory_space<hbm>>) dst(%arg13 : memref<1008xf32, #tpu.memory_space<vmem>>)
        tpu.yield
      }) : () -> ()
      "tpu.region"() ({
        %run_scoped3A = tpu.sem_alloc : memref<!tpu.dma_semaphore, #tpu.memory_space<semaphore_mem>>
        %dma_start3A = arith.constant 0 : i32
        %dma_start3A_66 = tpu.memref_slice %arg3[%add3A, %dma_start3A] : memref<4x1008xf32, #tpu.memory_space<hbm>> -> memref<1x1008xf32, #tpu.memory_space<hbm>>
        %dma_start3A_67 = tpu.memref_squeeze %dma_start3A_66 : memref<1x1008xf32, #tpu.memory_space<hbm>> -> memref<1008xf32, #tpu.memory_space<hbm>>
        %dma_start3A_68 = arith.constant 0 : i32
        %dma_start3A_69 = tpu.memref_slice %arg3[%add3A, %dma_start3A_68] : memref<4x1008xf32, #tpu.memory_space<hbm>> -> memref<1x1008xf32, #tpu.memory_space<hbm>>
        %dma_start3A_70 = tpu.memref_squeeze %dma_start3A_69 : memref<1x1008xf32, #tpu.memory_space<hbm>> -> memref<1008xf32, #tpu.memory_space<hbm>>
        tpu.enqueue_dma source(%dma_start3A_70 : memref<1008xf32, #tpu.memory_space<hbm>>) target(%arg14 : memref<1008xf32, #tpu.memory_space<vmem>>) target_semaphore(%run_scoped3A : memref<!tpu.dma_semaphore, #tpu.memory_space<semaphore_mem>>)
        %dma_wait3A = arith.constant 0 : i32
        %dma_wait3A_71 = tpu.memref_slice %arg3[%add3A, %dma_wait3A] : memref<4x1008xf32, #tpu.memory_space<hbm>> -> memref<1x1008xf32, #tpu.memory_space<hbm>>
        %dma_wait3A_72 = tpu.memref_squeeze %dma_wait3A_71 : memref<1x1008xf32, #tpu.memory_space<hbm>> -> memref<1008xf32, #tpu.memory_space<hbm>>
        %dma_wait3A_73 = arith.constant 0 : i32
        %dma_wait3A_74 = tpu.memref_slice %arg3[%add3A, %dma_wait3A_73] : memref<4x1008xf32, #tpu.memory_space<hbm>> -> memref<1x1008xf32, #tpu.memory_space<hbm>>
        %dma_wait3A_75 = tpu.memref_squeeze %dma_wait3A_74 : memref<1x1008xf32, #tpu.memory_space<hbm>> -> memref<1008xf32, #tpu.memory_space<hbm>>
        tpu.wait_dma2 semaphore(%run_scoped3A : memref<!tpu.dma_semaphore, #tpu.memory_space<semaphore_mem>>) src(%dma_wait3A_75 : memref<1008xf32, #tpu.memory_space<hbm>>) dst(%arg14 : memref<1008xf32, #tpu.memory_space<vmem>>)
        tpu.yield
      }) : () -> ()
      "tpu.region"() ({
        %run_scoped3A = tpu.sem_alloc : memref<!tpu.dma_semaphore, #tpu.memory_space<semaphore_mem>>
        %dma_start3A = arith.constant 0 : i32
        %dma_start3A_66 = tpu.memref_slice %arg4[%add3A, %dma_start3A] : memref<4x1008xf32, #tpu.memory_space<hbm>> -> memref<1x1008xf32, #tpu.memory_space<hbm>>
        %dma_start3A_67 = tpu.memref_squeeze %dma_start3A_66 : memref<1x1008xf32, #tpu.memory_space<hbm>> -> memref<1008xf32, #tpu.memory_space<hbm>>
        %dma_start3A_68 = arith.constant 0 : i32
        %dma_start3A_69 = tpu.memref_slice %arg4[%add3A, %dma_start3A_68] : memref<4x1008xf32, #tpu.memory_space<hbm>> -> memref<1x1008xf32, #tpu.memory_space<hbm>>
        %dma_start3A_70 = tpu.memref_squeeze %dma_start3A_69 : memref<1x1008xf32, #tpu.memory_space<hbm>> -> memref<1008xf32, #tpu.memory_space<hbm>>
        tpu.enqueue_dma source(%dma_start3A_70 : memref<1008xf32, #tpu.memory_space<hbm>>) target(%arg15 : memref<1008xf32, #tpu.memory_space<vmem>>) target_semaphore(%run_scoped3A : memref<!tpu.dma_semaphore, #tpu.memory_space<semaphore_mem>>)
        %dma_wait3A = arith.constant 0 : i32
        %dma_wait3A_71 = tpu.memref_slice %arg4[%add3A, %dma_wait3A] : memref<4x1008xf32, #tpu.memory_space<hbm>> -> memref<1x1008xf32, #tpu.memory_space<hbm>>
        %dma_wait3A_72 = tpu.memref_squeeze %dma_wait3A_71 : memref<1x1008xf32, #tpu.memory_space<hbm>> -> memref<1008xf32, #tpu.memory_space<hbm>>
        %dma_wait3A_73 = arith.constant 0 : i32
        %dma_wait3A_74 = tpu.memref_slice %arg4[%add3A, %dma_wait3A_73] : memref<4x1008xf32, #tpu.memory_space<hbm>> -> memref<1x1008xf32, #tpu.memory_space<hbm>>
        %dma_wait3A_75 = tpu.memref_squeeze %dma_wait3A_74 : memref<1x1008xf32, #tpu.memory_space<hbm>> -> memref<1008xf32, #tpu.memory_space<hbm>>
        tpu.wait_dma2 semaphore(%run_scoped3A : memref<!tpu.dma_semaphore, #tpu.memory_space<semaphore_mem>>) src(%dma_wait3A_75 : memref<1008xf32, #tpu.memory_space<hbm>>) dst(%arg15 : memref<1008xf32, #tpu.memory_space<vmem>>)
        tpu.yield
      }) : () -> ()
      "tpu.region"() ({
        %run_scoped3A = tpu.sem_alloc : memref<!tpu.dma_semaphore, #tpu.memory_space<semaphore_mem>>
        %dma_start3A = arith.constant 0 : i32
        %dma_start3A_66 = tpu.memref_slice %arg5[%add3A, %dma_start3A] : memref<4x1008xf32, #tpu.memory_space<hbm>> -> memref<1x1008xf32, #tpu.memory_space<hbm>>
        %dma_start3A_67 = tpu.memref_squeeze %dma_start3A_66 : memref<1x1008xf32, #tpu.memory_space<hbm>> -> memref<1008xf32, #tpu.memory_space<hbm>>
        %dma_start3A_68 = arith.constant 0 : i32
        %dma_start3A_69 = tpu.memref_slice %arg5[%add3A, %dma_start3A_68] : memref<4x1008xf32, #tpu.memory_space<hbm>> -> memref<1x1008xf32, #tpu.memory_space<hbm>>
        %dma_start3A_70 = tpu.memref_squeeze %dma_start3A_69 : memref<1x1008xf32, #tpu.memory_space<hbm>> -> memref<1008xf32, #tpu.memory_space<hbm>>
        tpu.enqueue_dma source(%dma_start3A_70 : memref<1008xf32, #tpu.memory_space<hbm>>) target(%arg16 : memref<1008xf32, #tpu.memory_space<vmem>>) target_semaphore(%run_scoped3A : memref<!tpu.dma_semaphore, #tpu.memory_space<semaphore_mem>>)
        %dma_wait3A = arith.constant 0 : i32
        %dma_wait3A_71 = tpu.memref_slice %arg5[%add3A, %dma_wait3A] : memref<4x1008xf32, #tpu.memory_space<hbm>> -> memref<1x1008xf32, #tpu.memory_space<hbm>>
        %dma_wait3A_72 = tpu.memref_squeeze %dma_wait3A_71 : memref<1x1008xf32, #tpu.memory_space<hbm>> -> memref<1008xf32, #tpu.memory_space<hbm>>
        %dma_wait3A_73 = arith.constant 0 : i32
        %dma_wait3A_74 = tpu.memref_slice %arg5[%add3A, %dma_wait3A_73] : memref<4x1008xf32, #tpu.memory_space<hbm>> -> memref<1x1008xf32, #tpu.memory_space<hbm>>
        %dma_wait3A_75 = tpu.memref_squeeze %dma_wait3A_74 : memref<1x1008xf32, #tpu.memory_space<hbm>> -> memref<1008xf32, #tpu.memory_space<hbm>>
        tpu.wait_dma2 semaphore(%run_scoped3A : memref<!tpu.dma_semaphore, #tpu.memory_space<semaphore_mem>>) src(%dma_wait3A_75 : memref<1008xf32, #tpu.memory_space<hbm>>) dst(%arg16 : memref<1008xf32, #tpu.memory_space<vmem>>)
        tpu.yield
      }) : () -> ()
      "tpu.region"() ({
        %run_scoped3A = tpu.sem_alloc : memref<!tpu.dma_semaphore, #tpu.memory_space<semaphore_mem>>
        %dma_start3A = arith.constant 0 : i32
        %dma_start3A_66 = tpu.memref_slice %arg6[%add3A, %dma_start3A] : memref<4x1008xf32, #tpu.memory_space<hbm>> -> memref<1x1008xf32, #tpu.memory_space<hbm>>
        %dma_start3A_67 = tpu.memref_squeeze %dma_start3A_66 : memref<1x1008xf32, #tpu.memory_space<hbm>> -> memref<1008xf32, #tpu.memory_space<hbm>>
        %dma_start3A_68 = arith.constant 0 : i32
        %dma_start3A_69 = tpu.memref_slice %arg6[%add3A, %dma_start3A_68] : memref<4x1008xf32, #tpu.memory_space<hbm>> -> memref<1x1008xf32, #tpu.memory_space<hbm>>
        %dma_start3A_70 = tpu.memref_squeeze %dma_start3A_69 : memref<1x1008xf32, #tpu.memory_space<hbm>> -> memref<1008xf32, #tpu.memory_space<hbm>>
        tpu.enqueue_dma source(%dma_start3A_70 : memref<1008xf32, #tpu.memory_space<hbm>>) target(%arg18 : memref<1008xf32, #tpu.memory_space<vmem>>) target_semaphore(%run_scoped3A : memref<!tpu.dma_semaphore, #tpu.memory_space<semaphore_mem>>)
        %dma_wait3A = arith.constant 0 : i32
        %dma_wait3A_71 = tpu.memref_slice %arg6[%add3A, %dma_wait3A] : memref<4x1008xf32, #tpu.memory_space<hbm>> -> memref<1x1008xf32, #tpu.memory_space<hbm>>
        %dma_wait3A_72 = tpu.memref_squeeze %dma_wait3A_71 : memref<1x1008xf32, #tpu.memory_space<hbm>> -> memref<1008xf32, #tpu.memory_space<hbm>>
        %dma_wait3A_73 = arith.constant 0 : i32
        %dma_wait3A_74 = tpu.memref_slice %arg6[%add3A, %dma_wait3A_73] : memref<4x1008xf32, #tpu.memory_space<hbm>> -> memref<1x1008xf32, #tpu.memory_space<hbm>>
        %dma_wait3A_75 = tpu.memref_squeeze %dma_wait3A_74 : memref<1x1008xf32, #tpu.memory_space<hbm>> -> memref<1008xf32, #tpu.memory_space<hbm>>
        tpu.wait_dma2 semaphore(%run_scoped3A : memref<!tpu.dma_semaphore, #tpu.memory_space<semaphore_mem>>) src(%dma_wait3A_75 : memref<1008xf32, #tpu.memory_space<hbm>>) dst(%arg18 : memref<1008xf32, #tpu.memory_space<vmem>>)
        tpu.yield
      }) : () -> ()
      "tpu.region"() ({
        %run_scoped3A = tpu.sem_alloc : memref<!tpu.dma_semaphore, #tpu.memory_space<semaphore_mem>>
        %dma_start3A = arith.constant 0 : i32
        %dma_start3A_66 = tpu.memref_slice %arg7[%add3A, %dma_start3A] : memref<4x1008xi32, #tpu.memory_space<hbm>> -> memref<1x1008xi32, #tpu.memory_space<hbm>>
        %dma_start3A_67 = tpu.memref_squeeze %dma_start3A_66 : memref<1x1008xi32, #tpu.memory_space<hbm>> -> memref<1008xi32, #tpu.memory_space<hbm>>
        %dma_start3A_68 = arith.constant 0 : i32
        %dma_start3A_69 = tpu.memref_slice %arg7[%add3A, %dma_start3A_68] : memref<4x1008xi32, #tpu.memory_space<hbm>> -> memref<1x1008xi32, #tpu.memory_space<hbm>>
        %dma_start3A_70 = tpu.memref_squeeze %dma_start3A_69 : memref<1x1008xi32, #tpu.memory_space<hbm>> -> memref<1008xi32, #tpu.memory_space<hbm>>
        tpu.enqueue_dma source(%dma_start3A_70 : memref<1008xi32, #tpu.memory_space<hbm>>) target(%arg22 : memref<1008xi32, #tpu.memory_space<vmem>>) target_semaphore(%run_scoped3A : memref<!tpu.dma_semaphore, #tpu.memory_space<semaphore_mem>>)
        %dma_wait3A = arith.constant 0 : i32
        %dma_wait3A_71 = tpu.memref_slice %arg7[%add3A, %dma_wait3A] : memref<4x1008xi32, #tpu.memory_space<hbm>> -> memref<1x1008xi32, #tpu.memory_space<hbm>>
        %dma_wait3A_72 = tpu.memref_squeeze %dma_wait3A_71 : memref<1x1008xi32, #tpu.memory_space<hbm>> -> memref<1008xi32, #tpu.memory_space<hbm>>
        %dma_wait3A_73 = arith.constant 0 : i32
        %dma_wait3A_74 = tpu.memref_slice %arg7[%add3A, %dma_wait3A_73] : memref<4x1008xi32, #tpu.memory_space<hbm>> -> memref<1x1008xi32, #tpu.memory_space<hbm>>
        %dma_wait3A_75 = tpu.memref_squeeze %dma_wait3A_74 : memref<1x1008xi32, #tpu.memory_space<hbm>> -> memref<1008xi32, #tpu.memory_space<hbm>>
        tpu.wait_dma2 semaphore(%run_scoped3A : memref<!tpu.dma_semaphore, #tpu.memory_space<semaphore_mem>>) src(%dma_wait3A_75 : memref<1008xi32, #tpu.memory_space<hbm>>) dst(%arg22 : memref<1008xi32, #tpu.memory_space<vmem>>)
        tpu.yield
      }) : () -> ()
      "tpu.region"() ({
        %run_scoped3A = tpu.sem_alloc : memref<!tpu.dma_semaphore, #tpu.memory_space<semaphore_mem>>
        %dma_start3A = arith.constant 0 : i32
        %dma_start3A_66 = tpu.memref_slice %arg8[%add3A, %dma_start3A] : memref<4x64xf32, #tpu.memory_space<hbm>> -> memref<1x64xf32, #tpu.memory_space<hbm>>
        %dma_start3A_67 = tpu.memref_squeeze %dma_start3A_66 : memref<1x64xf32, #tpu.memory_space<hbm>> -> memref<64xf32, #tpu.memory_space<hbm>>
        %dma_start3A_68 = arith.constant 0 : i32
        %dma_start3A_69 = tpu.memref_slice %arg8[%add3A, %dma_start3A_68] : memref<4x64xf32, #tpu.memory_space<hbm>> -> memref<1x64xf32, #tpu.memory_space<hbm>>
        %dma_start3A_70 = tpu.memref_squeeze %dma_start3A_69 : memref<1x64xf32, #tpu.memory_space<hbm>> -> memref<64xf32, #tpu.memory_space<hbm>>
        tpu.enqueue_dma source(%dma_start3A_70 : memref<64xf32, #tpu.memory_space<hbm>>) target(%arg23 : memref<64xf32, #tpu.memory_space<vmem>>) target_semaphore(%run_scoped3A : memref<!tpu.dma_semaphore, #tpu.memory_space<semaphore_mem>>)
        %dma_wait3A = arith.constant 0 : i32
        %dma_wait3A_71 = tpu.memref_slice %arg8[%add3A, %dma_wait3A] : memref<4x64xf32, #tpu.memory_space<hbm>> -> memref<1x64xf32, #tpu.memory_space<hbm>>
        %dma_wait3A_72 = tpu.memref_squeeze %dma_wait3A_71 : memref<1x64xf32, #tpu.memory_space<hbm>> -> memref<64xf32, #tpu.memory_space<hbm>>
        %dma_wait3A_73 = arith.constant 0 : i32
        %dma_wait3A_74 = tpu.memref_slice %arg8[%add3A, %dma_wait3A_73] : memref<4x64xf32, #tpu.memory_space<hbm>> -> memref<1x64xf32, #tpu.memory_space<hbm>>
        %dma_wait3A_75 = tpu.memref_squeeze %dma_wait3A_74 : memref<1x64xf32, #tpu.memory_space<hbm>> -> memref<64xf32, #tpu.memory_space<hbm>>
        tpu.wait_dma2 semaphore(%run_scoped3A : memref<!tpu.dma_semaphore, #tpu.memory_space<semaphore_mem>>) src(%dma_wait3A_75 : memref<64xf32, #tpu.memory_space<hbm>>) dst(%arg23 : memref<64xf32, #tpu.memory_space<vmem>>)
        tpu.yield
      }) : () -> ()
      "tpu.region"() ({
        %run_scoped3A = tpu.sem_alloc : memref<!tpu.dma_semaphore, #tpu.memory_space<semaphore_mem>>
        %dma_start3A = arith.constant 0 : i32
        %dma_start3A_66 = tpu.memref_slice %arg9[%add3A, %dma_start3A] : memref<4x64xf32, #tpu.memory_space<hbm>> -> memref<1x64xf32, #tpu.memory_space<hbm>>
        %dma_start3A_67 = tpu.memref_squeeze %dma_start3A_66 : memref<1x64xf32, #tpu.memory_space<hbm>> -> memref<64xf32, #tpu.memory_space<hbm>>
        %dma_start3A_68 = arith.constant 0 : i32
        %dma_start3A_69 = tpu.memref_slice %arg9[%add3A, %dma_start3A_68] : memref<4x64xf32, #tpu.memory_space<hbm>> -> memref<1x64xf32, #tpu.memory_space<hbm>>
        %dma_start3A_70 = tpu.memref_squeeze %dma_start3A_69 : memref<1x64xf32, #tpu.memory_space<hbm>> -> memref<64xf32, #tpu.memory_space<hbm>>
        tpu.enqueue_dma source(%dma_start3A_70 : memref<64xf32, #tpu.memory_space<hbm>>) target(%arg24 : memref<64xf32, #tpu.memory_space<vmem>>) target_semaphore(%run_scoped3A : memref<!tpu.dma_semaphore, #tpu.memory_space<semaphore_mem>>)
        %dma_wait3A = arith.constant 0 : i32
        %dma_wait3A_71 = tpu.memref_slice %arg9[%add3A, %dma_wait3A] : memref<4x64xf32, #tpu.memory_space<hbm>> -> memref<1x64xf32, #tpu.memory_space<hbm>>
        %dma_wait3A_72 = tpu.memref_squeeze %dma_wait3A_71 : memref<1x64xf32, #tpu.memory_space<hbm>> -> memref<64xf32, #tpu.memory_space<hbm>>
        %dma_wait3A_73 = arith.constant 0 : i32
        %dma_wait3A_74 = tpu.memref_slice %arg9[%add3A, %dma_wait3A_73] : memref<4x64xf32, #tpu.memory_space<hbm>> -> memref<1x64xf32, #tpu.memory_space<hbm>>
        %dma_wait3A_75 = tpu.memref_squeeze %dma_wait3A_74 : memref<1x64xf32, #tpu.memory_space<hbm>> -> memref<64xf32, #tpu.memory_space<hbm>>
        tpu.wait_dma2 semaphore(%run_scoped3A : memref<!tpu.dma_semaphore, #tpu.memory_space<semaphore_mem>>) src(%dma_wait3A_75 : memref<64xf32, #tpu.memory_space<hbm>>) dst(%arg24 : memref<64xf32, #tpu.memory_space<vmem>>)
        tpu.yield
      }) : () -> ()
      "tpu.region"() ({
        %run_scoped3A = tpu.sem_alloc : memref<!tpu.dma_semaphore, #tpu.memory_space<semaphore_mem>>
        %dma_start3A = arith.constant 0 : i32
        %dma_start3A_66 = tpu.memref_slice %arg10[%add3A, %dma_start3A] : memref<4x64xf32, #tpu.memory_space<hbm>> -> memref<1x64xf32, #tpu.memory_space<hbm>>
        %dma_start3A_67 = tpu.memref_squeeze %dma_start3A_66 : memref<1x64xf32, #tpu.memory_space<hbm>> -> memref<64xf32, #tpu.memory_space<hbm>>
        %dma_start3A_68 = arith.constant 0 : i32
        %dma_start3A_69 = tpu.memref_slice %arg10[%add3A, %dma_start3A_68] : memref<4x64xf32, #tpu.memory_space<hbm>> -> memref<1x64xf32, #tpu.memory_space<hbm>>
        %dma_start3A_70 = tpu.memref_squeeze %dma_start3A_69 : memref<1x64xf32, #tpu.memory_space<hbm>> -> memref<64xf32, #tpu.memory_space<hbm>>
        tpu.enqueue_dma source(%dma_start3A_70 : memref<64xf32, #tpu.memory_space<hbm>>) target(%arg25 : memref<64xf32, #tpu.memory_space<vmem>>) target_semaphore(%run_scoped3A : memref<!tpu.dma_semaphore, #tpu.memory_space<semaphore_mem>>)
        %dma_wait3A = arith.constant 0 : i32
        %dma_wait3A_71 = tpu.memref_slice %arg10[%add3A, %dma_wait3A] : memref<4x64xf32, #tpu.memory_space<hbm>> -> memref<1x64xf32, #tpu.memory_space<hbm>>
        %dma_wait3A_72 = tpu.memref_squeeze %dma_wait3A_71 : memref<1x64xf32, #tpu.memory_space<hbm>> -> memref<64xf32, #tpu.memory_space<hbm>>
        %dma_wait3A_73 = arith.constant 0 : i32
        %dma_wait3A_74 = tpu.memref_slice %arg10[%add3A, %dma_wait3A_73] : memref<4x64xf32, #tpu.memory_space<hbm>> -> memref<1x64xf32, #tpu.memory_space<hbm>>
        %dma_wait3A_75 = tpu.memref_squeeze %dma_wait3A_74 : memref<1x64xf32, #tpu.memory_space<hbm>> -> memref<64xf32, #tpu.memory_space<hbm>>
        tpu.wait_dma2 semaphore(%run_scoped3A : memref<!tpu.dma_semaphore, #tpu.memory_space<semaphore_mem>>) src(%dma_wait3A_75 : memref<64xf32, #tpu.memory_space<hbm>>) dst(%arg25 : memref<64xf32, #tpu.memory_space<vmem>>)
        tpu.yield
      }) : () -> ()
      "tpu.region"() ({
        %run_scoped3A = tpu.sem_alloc : memref<!tpu.dma_semaphore, #tpu.memory_space<semaphore_mem>>
        %dma_start3A = arith.constant 0 : i32
        %dma_start3A_66 = tpu.memref_slice %arg11[%add3A, %dma_start3A] : memref<4x64xf32, #tpu.memory_space<hbm>> -> memref<1x64xf32, #tpu.memory_space<hbm>>
        %dma_start3A_67 = tpu.memref_squeeze %dma_start3A_66 : memref<1x64xf32, #tpu.memory_space<hbm>> -> memref<64xf32, #tpu.memory_space<hbm>>
        %dma_start3A_68 = arith.constant 0 : i32
        %dma_start3A_69 = tpu.memref_slice %arg11[%add3A, %dma_start3A_68] : memref<4x64xf32, #tpu.memory_space<hbm>> -> memref<1x64xf32, #tpu.memory_space<hbm>>
        %dma_start3A_70 = tpu.memref_squeeze %dma_start3A_69 : memref<1x64xf32, #tpu.memory_space<hbm>> -> memref<64xf32, #tpu.memory_space<hbm>>
        tpu.enqueue_dma source(%dma_start3A_70 : memref<64xf32, #tpu.memory_space<hbm>>) target(%arg26 : memref<64xf32, #tpu.memory_space<vmem>>) target_semaphore(%run_scoped3A : memref<!tpu.dma_semaphore, #tpu.memory_space<semaphore_mem>>)
        %dma_wait3A = arith.constant 0 : i32
        %dma_wait3A_71 = tpu.memref_slice %arg11[%add3A, %dma_wait3A] : memref<4x64xf32, #tpu.memory_space<hbm>> -> memref<1x64xf32, #tpu.memory_space<hbm>>
        %dma_wait3A_72 = tpu.memref_squeeze %dma_wait3A_71 : memref<1x64xf32, #tpu.memory_space<hbm>> -> memref<64xf32, #tpu.memory_space<hbm>>
        %dma_wait3A_73 = arith.constant 0 : i32
        %dma_wait3A_74 = tpu.memref_slice %arg11[%add3A, %dma_wait3A_73] : memref<4x64xf32, #tpu.memory_space<hbm>> -> memref<1x64xf32, #tpu.memory_space<hbm>>
        %dma_wait3A_75 = tpu.memref_squeeze %dma_wait3A_74 : memref<1x64xf32, #tpu.memory_space<hbm>> -> memref<64xf32, #tpu.memory_space<hbm>>
        tpu.wait_dma2 semaphore(%run_scoped3A : memref<!tpu.dma_semaphore, #tpu.memory_space<semaphore_mem>>) src(%dma_wait3A_75 : memref<64xf32, #tpu.memory_space<hbm>>) dst(%arg26 : memref<64xf32, #tpu.memory_space<vmem>>)
        tpu.yield
      }) : () -> ()
      %iota3A = tpu.iota {dimensions = array<i32: 0>} : vector<16xi32>
      %broadcast_in_dim3A = arith.constant 0.000000e+00 : f32
      %broadcast_in_dim3A_3 = vector.broadcast %broadcast_in_dim3A : f32 to vector<16xf32>
      %scan3A = arith.constant 0 : i32
      %scan3A_4 = arith.constant 0 : i32
      %scan3A_5 = arith.constant 4 : i32
      %scan3A_6 = arith.addi %scan3A_4, %scan3A_5 : i32
      %scan3A_7 = arith.constant 1 : i32
      scf.for %scan3A_66 = %scan3A_4 to %scan3A_6 step %scan3A_7  : i32 {
        %mul3A_67 = arith.constant 16 : i32
        %mul3A_68 = arith.muli %scan3A_66, %mul3A_67 : i32
        %multiple_of3A = tpu.assume_multiple %mul3A_68, 16 : i32
        %broadcast_in_dim3A_69 = arith.constant -1.000000e+00 : f32
        %broadcast_in_dim3A_70 = vector.broadcast %broadcast_in_dim3A_69 : f32 to vector<16xf32>
        %swap3A_71 = arith.index_cast %multiple_of3A : i32 to index
        %swap3A_72 = tpu.vector_load %arg27[%swap3A_71] {strides = array<i32>} : memref<64xf32, #tpu.memory_space<vmem>>, vector<16xf32>,
        tpu.vector_store %arg27[%swap3A_71], %broadcast_in_dim3A_70 {strides = array<i32>} : memref<64xf32, #tpu.memory_space<vmem>>, vector<16xf32>,
        %swap3A_73 = arith.index_cast %multiple_of3A : i32 to index
        %swap3A_74 = tpu.vector_load %arg28[%swap3A_73] {strides = array<i32>} : memref<64xf32, #tpu.memory_space<vmem>>, vector<16xf32>,
        tpu.vector_store %arg28[%swap3A_73], %broadcast_in_dim3A_3 {strides = array<i32>} : memref<64xf32, #tpu.memory_space<vmem>>, vector<16xf32>,
        %swap3A_75 = arith.index_cast %multiple_of3A : i32 to index
        %swap3A_76 = tpu.vector_load %arg29[%swap3A_75] {strides = array<i32>} : memref<64xf32, #tpu.memory_space<vmem>>, vector<16xf32>,
        tpu.vector_store %arg29[%swap3A_75], %broadcast_in_dim3A_3 {strides = array<i32>} : memref<64xf32, #tpu.memory_space<vmem>>, vector<16xf32>,
        %swap3A_77 = arith.index_cast %multiple_of3A : i32 to index
        %swap3A_78 = tpu.vector_load %arg30[%swap3A_77] {strides = array<i32>} : memref<64xf32, #tpu.memory_space<vmem>>, vector<16xf32>,
        tpu.vector_store %arg30[%swap3A_77], %broadcast_in_dim3A_3 {strides = array<i32>} : memref<64xf32, #tpu.memory_space<vmem>>, vector<16xf32>,
        %swap3A_79 = arith.index_cast %multiple_of3A : i32 to index
        %swap3A_80 = tpu.vector_load %arg31[%swap3A_79] {strides = array<i32>} : memref<64xf32, #tpu.memory_space<vmem>>, vector<16xf32>,
        tpu.vector_store %arg31[%swap3A_79], %broadcast_in_dim3A_3 {strides = array<i32>} : memref<64xf32, #tpu.memory_space<vmem>>, vector<16xf32>,
      }
      %scan3A_8 = arith.constant 4 : i32
      %broadcast_in_dim3A_9 = arith.constant -2.000000e+00 : f32
      %broadcast_in_dim3A_10 = vector.broadcast %broadcast_in_dim3A_9 : f32 to vector<16xf32>
      %broadcast_in_dim3A_11 = arith.constant -1 : i32
      %broadcast_in_dim3A_12 = vector.broadcast %broadcast_in_dim3A_11 : i32 to vector<16xi32>
      %parallel_loop3A = arith.constant 0 : i32
      %parallel_loop3A_13 = arith.constant 63 : i32
      %parallel_loop3A_14 = arith.constant 1 : i32
      %parallel_loop3A_15:2 = scf.for %parallel_loop3A_66 = %parallel_loop3A to %parallel_loop3A_13 step %parallel_loop3A_14 iter_args(%parallel_loop3A_67 = %broadcast_in_dim3A_10, %parallel_loop3A_68 = %broadcast_in_dim3A_12) -> (vector<16xf32>, vector<16xi32>)  : i32 {
        %parallel_loop3A_69 = arith.constant 16 : i32
        %parallel_loop3A_70 = arith.muli %parallel_loop3A_66, %parallel_loop3A_69 : i32
        %parallel_loop3A_71 = tpu.assume_multiple %parallel_loop3A_70, 16 : i32
        %parallel_loop3A_72 = arith.index_cast %parallel_loop3A_71 : i32 to index
        %parallel_loop3A_73 = tpu.vector_load %arg13[%parallel_loop3A_72] {strides = array<i32>} : memref<1008xf32, #tpu.memory_space<vmem>>, vector<16xf32>,
        %parallel_loop3A_74 = arith.index_cast %parallel_loop3A_71 : i32 to index
        %parallel_loop3A_75 = tpu.vector_load %arg14[%parallel_loop3A_74] {strides = array<i32>} : memref<1008xf32, #tpu.memory_space<vmem>>, vector<16xf32>,
        %parallel_loop3A_76 = arith.index_cast %parallel_loop3A_71 : i32 to index
        %parallel_loop3A_77 = tpu.vector_load %arg15[%parallel_loop3A_76] {strides = array<i32>} : memref<1008xf32, #tpu.memory_space<vmem>>, vector<16xf32>,
        %parallel_loop3A_78 = arith.index_cast %parallel_loop3A_71 : i32 to index
        %parallel_loop3A_79 = tpu.vector_load %arg16[%parallel_loop3A_78] {strides = array<i32>} : memref<1008xf32, #tpu.memory_space<vmem>>, vector<16xf32>,
        %parallel_loop3A_80 = arith.subf %parallel_loop3A_77, %parallel_loop3A_73 : vector<16xf32>
        %parallel_loop3A_81 = arith.subf %parallel_loop3A_79, %parallel_loop3A_75 : vector<16xf32>
        %parallel_loop3A_82 = arith.mulf %parallel_loop3A_80, %parallel_loop3A_81 : vector<16xf32>
        %parallel_loop3A_83 = arith.index_cast %parallel_loop3A_71 : i32 to index
        %parallel_loop3A_84 = tpu.vector_load %arg17[%parallel_loop3A_83] {strides = array<i32>} : memref<1008xf32, #tpu.memory_space<vmem>>, vector<16xf32>,
        tpu.vector_store %arg17[%parallel_loop3A_83], %parallel_loop3A_82 {strides = array<i32>} : memref<1008xf32, #tpu.memory_space<vmem>>, vector<16xf32>,
        %parallel_loop3A_85 = arith.index_cast %parallel_loop3A_71 : i32 to index
        %parallel_loop3A_86 = tpu.vector_load %arg22[%parallel_loop3A_85] {strides = array<i32>} : memref<1008xi32, #tpu.memory_space<vmem>>, vector<16xi32>,
        %parallel_loop3A_87 = tpu.vector_load_idx %arg23[%parallel_loop3A_86] : memref<64xf32, #tpu.memory_space<vmem>>[vector<16xi32>], vector<16xf32>,
        %parallel_loop3A_88 = tpu.vector_load_idx %arg24[%parallel_loop3A_86] : memref<64xf32, #tpu.memory_space<vmem>>[vector<16xi32>], vector<16xf32>,
        %parallel_loop3A_89 = tpu.vector_load_idx %arg25[%parallel_loop3A_86] : memref<64xf32, #tpu.memory_space<vmem>>[vector<16xi32>], vector<16xf32>,
        %parallel_loop3A_90 = tpu.vector_load_idx %arg26[%parallel_loop3A_86] : memref<64xf32, #tpu.memory_space<vmem>>[vector<16xi32>], vector<16xf32>,
        %parallel_loop3A_91 = arith.minimumf %parallel_loop3A_89, %parallel_loop3A_77 : vector<16xf32>
        %parallel_loop3A_92 = arith.maximumf %parallel_loop3A_87, %parallel_loop3A_73 : vector<16xf32>
        %parallel_loop3A_93 = arith.subf %parallel_loop3A_91, %parallel_loop3A_92 : vector<16xf32>
        %parallel_loop3A_94 = arith.constant 0.000000e+00 : f32
        %parallel_loop3A_95 = vector.broadcast %parallel_loop3A_94 : f32 to vector<16xf32>
        %parallel_loop3A_96 = arith.maximumf %parallel_loop3A_93, %parallel_loop3A_95 : vector<16xf32>
        %parallel_loop3A_97 = arith.minimumf %parallel_loop3A_90, %parallel_loop3A_79 : vector<16xf32>
        %parallel_loop3A_98 = arith.maximumf %parallel_loop3A_88, %parallel_loop3A_75 : vector<16xf32>
        %parallel_loop3A_99 = arith.subf %parallel_loop3A_97, %parallel_loop3A_98 : vector<16xf32>
        %parallel_loop3A_100 = arith.constant 0.000000e+00 : f32
        %parallel_loop3A_101 = vector.broadcast %parallel_loop3A_100 : f32 to vector<16xf32>
        %parallel_loop3A_102 = arith.maximumf %parallel_loop3A_99, %parallel_loop3A_101 : vector<16xf32>
        %parallel_loop3A_103 = arith.mulf %parallel_loop3A_96, %parallel_loop3A_102 : vector<16xf32>
        %parallel_loop3A_104 = arith.subf %parallel_loop3A_89, %parallel_loop3A_87 : vector<16xf32>
        %parallel_loop3A_105 = arith.subf %parallel_loop3A_90, %parallel_loop3A_88 : vector<16xf32>
        %parallel_loop3A_106 = arith.mulf %parallel_loop3A_104, %parallel_loop3A_105 : vector<16xf32>
        %parallel_loop3A_107 = arith.addf %parallel_loop3A_106, %parallel_loop3A_82 : vector<16xf32>
        %parallel_loop3A_108 = arith.subf %parallel_loop3A_107, %parallel_loop3A_103 : vector<16xf32>
        %parallel_loop3A_109 = arith.constant 9.99999997E-7 : f32
        %parallel_loop3A_110 = vector.broadcast %parallel_loop3A_109 : f32 to vector<16xf32>
        %parallel_loop3A_111 = arith.maximumf %parallel_loop3A_108, %parallel_loop3A_110 : vector<16xf32>
        %parallel_loop3A_112 = arith.divf %parallel_loop3A_103, %parallel_loop3A_111 : vector<16xf32>
        %parallel_loop3A_113 = arith.index_cast %parallel_loop3A_71 : i32 to index
        %parallel_loop3A_114 = tpu.vector_load %arg18[%parallel_loop3A_113] {strides = array<i32>} : memref<1008xf32, #tpu.memory_space<vmem>>, vector<16xf32>,
        %parallel_loop3A_115 = arith.constant 9.99999997E-7 : f32
        %parallel_loop3A_116 = vector.broadcast %parallel_loop3A_115 : f32 to vector<16xf32>
        %parallel_loop3A_117 = arith.addf %parallel_loop3A_116, %parallel_loop3A_112 : vector<16xf32>
        %parallel_loop3A_118 = vector.bitcast %parallel_loop3A_117 : vector<16xf32> to vector<16xi32>
        %parallel_loop3A_119 = arith.constant 23 : i32
        %parallel_loop3A_120 = vector.broadcast %parallel_loop3A_119 : i32 to vector<16xi32>
        %parallel_loop3A_121 = arith.shrsi %parallel_loop3A_118, %parallel_loop3A_120 : vector<16xi32>
        %parallel_loop3A_122 = arith.constant 127 : i32
        %parallel_loop3A_123 = vector.broadcast %parallel_loop3A_122 : i32 to vector<16xi32>
        %parallel_loop3A_124 = arith.subi %parallel_loop3A_121, %parallel_loop3A_123 : vector<16xi32>
        %parallel_loop3A_125 = arith.constant 8388607 : i32
        %parallel_loop3A_126 = vector.broadcast %parallel_loop3A_125 : i32 to vector<16xi32>
        %parallel_loop3A_127 = arith.andi %parallel_loop3A_118, %parallel_loop3A_126 : vector<16xi32>
        %parallel_loop3A_128 = arith.constant 1065353216 : i32
        %parallel_loop3A_129 = vector.broadcast %parallel_loop3A_128 : i32 to vector<16xi32>
        %parallel_loop3A_130 = arith.ori %parallel_loop3A_127, %parallel_loop3A_129 : vector<16xi32>
        %parallel_loop3A_131 = vector.bitcast %parallel_loop3A_130 : vector<16xi32> to vector<16xf32>
        %parallel_loop3A_132 = arith.constant 1.41421354 : f32
        %parallel_loop3A_133 = vector.broadcast %parallel_loop3A_132 : f32 to vector<16xf32>
        %parallel_loop3A_134 = arith.cmpf ogt, %parallel_loop3A_131, %parallel_loop3A_133 : vector<16xf32>
        %parallel_loop3A_135 = arith.constant 5.000000e-01 : f32
        %parallel_loop3A_136 = vector.broadcast %parallel_loop3A_135 : f32 to vector<16xf32>
        %parallel_loop3A_137 = arith.mulf %parallel_loop3A_131, %parallel_loop3A_136 : vector<16xf32>
        %parallel_loop3A_138 = arith.select %parallel_loop3A_134, %parallel_loop3A_137, %parallel_loop3A_131 : vector<16xi1>, vector<16xf32>
        %parallel_loop3A_139 = arith.constant 1 : i32
        %parallel_loop3A_140 = arith.constant 0 : i32
        %parallel_loop3A_141 = vector.broadcast %parallel_loop3A_139 : i32 to vector<16xi32>
        %parallel_loop3A_142 = vector.broadcast %parallel_loop3A_140 : i32 to vector<16xi32>
        %parallel_loop3A_143 = arith.select %parallel_loop3A_134, %parallel_loop3A_141, %parallel_loop3A_142 : vector<16xi1>, vector<16xi32>
        %parallel_loop3A_144 = arith.addi %parallel_loop3A_124, %parallel_loop3A_143 : vector<16xi32>
        %parallel_loop3A_145 = arith.constant 1.000000e+00 : f32
        %parallel_loop3A_146 = vector.broadcast %parallel_loop3A_145 : f32 to vector<16xf32>
        %parallel_loop3A_147 = arith.subf %parallel_loop3A_138, %parallel_loop3A_146 : vector<16xf32>
        %parallel_loop3A_148 = arith.constant 1.000000e+00 : f32
        %parallel_loop3A_149 = vector.broadcast %parallel_loop3A_148 : f32 to vector<16xf32>
        %parallel_loop3A_150 = arith.addf %parallel_loop3A_138, %parallel_loop3A_149 : vector<16xf32>
        %parallel_loop3A_151 = arith.divf %parallel_loop3A_147, %parallel_loop3A_150 : vector<16xf32>
        %parallel_loop3A_152 = arith.mulf %parallel_loop3A_151, %parallel_loop3A_151 : vector<16xf32>
        %parallel_loop3A_153 = arith.constant 0.222222224 : f32
        %parallel_loop3A_154 = vector.broadcast %parallel_loop3A_153 : f32 to vector<16xf32>
        %parallel_loop3A_155 = arith.mulf %parallel_loop3A_152, %parallel_loop3A_154 : vector<16xf32>
        %parallel_loop3A_156 = arith.constant 0.285714298 : f32
        %parallel_loop3A_157 = vector.broadcast %parallel_loop3A_156 : f32 to vector<16xf32>
        %parallel_loop3A_158 = arith.addf %parallel_loop3A_157, %parallel_loop3A_155 : vector<16xf32>
        %parallel_loop3A_159 = arith.mulf %parallel_loop3A_152, %parallel_loop3A_158 : vector<16xf32>
        %parallel_loop3A_160 = arith.constant 4.000000e-01 : f32
        %parallel_loop3A_161 = vector.broadcast %parallel_loop3A_160 : f32 to vector<16xf32>
        %parallel_loop3A_162 = arith.addf %parallel_loop3A_161, %parallel_loop3A_159 : vector<16xf32>
        %parallel_loop3A_163 = arith.mulf %parallel_loop3A_152, %parallel_loop3A_162 : vector<16xf32>
        %parallel_loop3A_164 = arith.constant 0.666666686 : f32
        %parallel_loop3A_165 = vector.broadcast %parallel_loop3A_164 : f32 to vector<16xf32>
        %parallel_loop3A_166 = arith.addf %parallel_loop3A_165, %parallel_loop3A_163 : vector<16xf32>
        %parallel_loop3A_167 = arith.mulf %parallel_loop3A_152, %parallel_loop3A_166 : vector<16xf32>
        %parallel_loop3A_168 = arith.constant 2.000000e+00 : f32
        %parallel_loop3A_169 = vector.broadcast %parallel_loop3A_168 : f32 to vector<16xf32>
        %parallel_loop3A_170 = arith.addf %parallel_loop3A_169, %parallel_loop3A_167 : vector<16xf32>
        %parallel_loop3A_171 = arith.mulf %parallel_loop3A_151, %parallel_loop3A_170 : vector<16xf32>
        %parallel_loop3A_172 = arith.sitofp %parallel_loop3A_144 : vector<16xi32> to vector<16xf32>
        %parallel_loop3A_173 = arith.constant 0.693147182 : f32
        %parallel_loop3A_174 = vector.broadcast %parallel_loop3A_173 : f32 to vector<16xf32>
        %parallel_loop3A_175 = arith.mulf %parallel_loop3A_172, %parallel_loop3A_174 : vector<16xf32>
        %parallel_loop3A_176 = arith.addf %parallel_loop3A_175, %parallel_loop3A_171 : vector<16xf32>
        %parallel_loop3A_177 = arith.constant 0.000000e+00 : f32
        %parallel_loop3A_178 = vector.broadcast %parallel_loop3A_177 : f32 to vector<16xf32>
        %parallel_loop3A_179 = arith.subf %parallel_loop3A_178, %parallel_loop3A_176 : vector<16xf32>
        %parallel_loop3A_180 = arith.mulf %parallel_loop3A_179, %parallel_loop3A_114 : vector<16xf32>
        %parallel_loop3A_181 = arith.index_cast %parallel_loop3A_71 : i32 to index
        %parallel_loop3A_182 = tpu.vector_load %arg19[%parallel_loop3A_181] {strides = array<i32>} : memref<1008xf32, #tpu.memory_space<vmem>>, vector<16xf32>,
        tpu.vector_store %arg19[%parallel_loop3A_181], %parallel_loop3A_180 {strides = array<i32>} : memref<1008xf32, #tpu.memory_space<vmem>>, vector<16xf32>,
        %parallel_loop3A_183 = arith.index_cast %parallel_loop3A_71 : i32 to index
        %parallel_loop3A_184 = tpu.vector_load %arg20[%parallel_loop3A_183] {strides = array<i32>} : memref<1008xf32, #tpu.memory_space<vmem>>, vector<16xf32>,
        tpu.vector_store %arg20[%parallel_loop3A_183], %broadcast_in_dim3A_3 {strides = array<i32>} : memref<1008xf32, #tpu.memory_space<vmem>>, vector<16xf32>,
        %parallel_loop3A_185 = arith.index_cast %parallel_loop3A_71 : i32 to index
        %parallel_loop3A_186 = tpu.vector_load %arg21[%parallel_loop3A_185] {strides = array<i32>} : memref<1008xf32, #tpu.memory_space<vmem>>, vector<16xf32>,
        tpu.vector_store %arg21[%parallel_loop3A_185], %broadcast_in_dim3A_3 {strides = array<i32>} : memref<1008xf32, #tpu.memory_space<vmem>>, vector<16xf32>,
        %parallel_loop3A_187 = arith.constant 16 : i32
        %parallel_loop3A_188 = arith.muli %parallel_loop3A_66, %parallel_loop3A_187 : i32
        %parallel_loop3A_189 = vector.broadcast %parallel_loop3A_188 : i32 to vector<16xi32>
        %parallel_loop3A_190 = arith.addi %iota3A, %parallel_loop3A_189 : vector<16xi32>
        %parallel_loop3A_191 = arith.cmpf ogt, %parallel_loop3A_114, %parallel_loop3A_67 : vector<16xf32>
        %parallel_loop3A_192 = arith.cmpf oeq, %parallel_loop3A_114, %parallel_loop3A_67 : vector<16xf32>
        %parallel_loop3A_193 = arith.cmpi sgt, %parallel_loop3A_190, %parallel_loop3A_68 : vector<16xi32>
        %parallel_loop3A_194 = arith.andi %parallel_loop3A_192, %parallel_loop3A_193 : vector<16xi1>
        %parallel_loop3A_195 = arith.ori %parallel_loop3A_191, %parallel_loop3A_194 : vector<16xi1>
        %parallel_loop3A_196 = arith.select %parallel_loop3A_195, %parallel_loop3A_114, %parallel_loop3A_67 : vector<16xi1>, vector<16xf32>
        %parallel_loop3A_197 = arith.select %parallel_loop3A_195, %parallel_loop3A_190, %parallel_loop3A_68 : vector<16xi1>, vector<16xi32>
        scf.yield %parallel_loop3A_196, %parallel_loop3A_197 : vector<16xf32>, vector<16xi32>
      } {sc.loop_unroll_factor = 1 : i64, sc.parallel_access}
      %reduce_max3A = arith.constant true
      %reduce_max3A_16 = vector.broadcast %reduce_max3A : i1 to vector<16xi1>
      %reduce_max3A_17 = tpu.scan <max>, %parallel_loop3A_15#0 masked %reduce_max3A_16 : vector<16xf32>, vector<16xi1> -> vector<16xf32>
      %reduce_max3A_18 = vector.extract %reduce_max3A_17[15] : f32 from vector<16xf32>
      %eq3A = vector.broadcast %reduce_max3A_18 : f32 to vector<16xf32>
      %eq3A_19 = arith.cmpf oeq, %parallel_loop3A_15#0, %eq3A : vector<16xf32>
      %jit3A = arith.constant -2147483647 : i32
      %broadcast_in_dim3A_20 = vector.broadcast %jit3A : i32 to vector<16xi32>
      %select_n3A = arith.select %eq3A_19, %parallel_loop3A_15#1, %broadcast_in_dim3A_20 : vector<16xi1>, vector<16xi32>
      %reduce_max3A_21 = arith.constant true
      %reduce_max3A_22 = vector.broadcast %reduce_max3A_21 : i1 to vector<16xi1>
      %reduce_max3A_23 = arith.constant -2147483648 : i32
      %reduce_max3A_24 = vector.broadcast %reduce_max3A_23 : i32 to vector<16xi32>
      %reduce_max3A_25 = arith.xori %select_n3A, %reduce_max3A_24 : vector<16xi32>
      %reduce_max3A_26 = tpu.scan <max>, %reduce_max3A_25 masked %reduce_max3A_22 : vector<16xi32>, vector<16xi1> -> vector<16xi32>
      %reduce_max3A_27 = arith.xori %reduce_max3A_26, %reduce_max3A_24 : vector<16xi32>
      %reduce_max3A_28 = vector.extract %reduce_max3A_27[15] : i32 from vector<16xi32>
      %eq3A_29 = arith.constant 0 : i32
      %eq3A_30 = vector.broadcast %eq3A_29 : i32 to vector<16xi32>
      %eq3A_31 = arith.cmpi eq, %iota3A, %eq3A_30 : vector<16xi32>
      %broadcast_in_dim3A_32 = arith.constant 0 : i32
      %broadcast_in_dim3A_33 = vector.broadcast %broadcast_in_dim3A_32 : i32 to vector<16xi32>
      %lt3A_34 = arith.constant 0 : i32
      %lt3A_35 = vector.broadcast %lt3A_34 : i32 to vector<16xi32>
      %lt3A_36 = arith.cmpi slt, %iota3A, %lt3A_35 : vector<16xi32>
      %broadcast_in_dim3A_37 = vector.broadcast %reduce_max3A_28 : i32 to vector<16xi32>
      %while3A = arith.constant 1008 : i32
      %while3A_38:6 = scf.while (%while3A_66 = %broadcast_in_dim3A_37, %while3A_67 = %reduce_max3A_18, %while3A_68 = %broadcast_in_dim3A_3, %while3A_69 = %broadcast_in_dim3A_3, %while3A_70 = %broadcast_in_dim3A_33, %while3A_71 = %while3A) : (vector<16xi32>, f32, vector<16xf32>, vector<16xf32>, vector<16xi32>, i32) -> (vector<16xi32>, f32, vector<16xf32>, vector<16xf32>, vector<16xi32>, i32) {
        %ge3A = arith.constant 0.000000e+00 : f32
        %ge3A_72 = arith.cmpf oge, %while3A_67, %ge3A : f32
        scf.condition(%ge3A_72) %while3A_66, %while3A_67, %while3A_68, %while3A_69, %while3A_70, %while3A_71 : vector<16xi32>, f32, vector<16xf32>, vector<16xf32>, vector<16xi32>, i32
      } do {
      ^bb0(%while3A_66: vector<16xi32>, %while3A_67: f32, %while3A_68: vector<16xf32>, %while3A_69: vector<16xf32>, %while3A_70: vector<16xi32>, %while3A_71: i32):
        %gather3A = tpu.vector_load_idx %arg13[%while3A_66] : memref<1008xf32, #tpu.memory_space<vmem>>[vector<16xi32>], vector<16xf32>,
        %gather3A_72 = tpu.vector_load_idx %arg14[%while3A_66] : memref<1008xf32, #tpu.memory_space<vmem>>[vector<16xi32>], vector<16xf32>,
        %gather3A_73 = tpu.vector_load_idx %arg15[%while3A_66] : memref<1008xf32, #tpu.memory_space<vmem>>[vector<16xi32>], vector<16xf32>,
        %gather3A_74 = tpu.vector_load_idx %arg16[%while3A_66] : memref<1008xf32, #tpu.memory_space<vmem>>[vector<16xi32>], vector<16xf32>,
        %gather3A_75 = tpu.vector_load_idx %arg17[%while3A_66] : memref<1008xf32, #tpu.memory_space<vmem>>[vector<16xi32>], vector<16xf32>,
        %gather3A_76 = tpu.vector_load_idx %arg18[%while3A_66] : memref<1008xf32, #tpu.memory_space<vmem>>[vector<16xi32>], vector<16xf32>,
        %gather3A_77 = tpu.vector_load_idx %arg22[%while3A_66] : memref<1008xi32, #tpu.memory_space<vmem>>[vector<16xi32>], vector<16xi32>,
        %gather3A_78 = tpu.vector_load_idx %arg27[%gather3A_77] : memref<64xf32, #tpu.memory_space<vmem>>[vector<16xi32>], vector<16xf32>,
        %gather3A_79 = tpu.vector_load_idx %arg28[%gather3A_77] : memref<64xf32, #tpu.memory_space<vmem>>[vector<16xi32>], vector<16xf32>,
        %gather3A_80 = tpu.vector_load_idx %arg29[%gather3A_77] : memref<64xf32, #tpu.memory_space<vmem>>[vector<16xi32>], vector<16xf32>,
        %gather3A_81 = tpu.vector_load_idx %arg30[%gather3A_77] : memref<64xf32, #tpu.memory_space<vmem>>[vector<16xi32>], vector<16xf32>,
        %gather3A_82 = tpu.vector_load_idx %arg31[%gather3A_77] : memref<64xf32, #tpu.memory_space<vmem>>[vector<16xi32>], vector<16xf32>,
        %min3A = arith.minimumf %gather3A_81, %gather3A_73 : vector<16xf32>
        %max3A = arith.maximumf %gather3A_79, %gather3A : vector<16xf32>
        %sub3A = arith.subf %min3A, %max3A : vector<16xf32>
        %max3A_83 = arith.constant 0.000000e+00 : f32
        %max3A_84 = vector.broadcast %max3A_83 : f32 to vector<16xf32>
        %max3A_85 = arith.maximumf %sub3A, %max3A_84 : vector<16xf32>
        %min3A_86 = arith.minimumf %gather3A_82, %gather3A_74 : vector<16xf32>
        %max3A_87 = arith.maximumf %gather3A_80, %gather3A_72 : vector<16xf32>
        %sub3A_88 = arith.subf %min3A_86, %max3A_87 : vector<16xf32>
        %max3A_89 = arith.constant 0.000000e+00 : f32
        %max3A_90 = vector.broadcast %max3A_89 : f32 to vector<16xf32>
        %max3A_91 = arith.maximumf %sub3A_88, %max3A_90 : vector<16xf32>
        %mul3A_92 = arith.mulf %max3A_85, %max3A_91 : vector<16xf32>
        %sub3A_93 = arith.subf %gather3A_81, %gather3A_79 : vector<16xf32>
        %sub3A_94 = arith.subf %gather3A_82, %gather3A_80 : vector<16xf32>
        %mul3A_95 = arith.mulf %sub3A_93, %sub3A_94 : vector<16xf32>
        %add3A_96 = arith.addf %mul3A_95, %gather3A_75 : vector<16xf32>
        %sub3A_97 = arith.subf %add3A_96, %mul3A_92 : vector<16xf32>
        %max3A_98 = arith.constant 9.99999997E-7 : f32
        %max3A_99 = vector.broadcast %max3A_98 : f32 to vector<16xf32>
        %max3A_100 = arith.maximumf %sub3A_97, %max3A_99 : vector<16xf32>
        %div3A_101 = arith.divf %mul3A_92, %max3A_100 : vector<16xf32>
        %max3A_102 = arith.constant 9.99999997E-7 : f32
        %max3A_103 = vector.broadcast %max3A_102 : f32 to vector<16xf32>
        %max3A_104 = arith.maximumf %div3A_101, %max3A_103 : vector<16xf32>
        %gt3A = arith.constant 0.000000e+00 : f32
        %gt3A_105 = vector.broadcast %gt3A : f32 to vector<16xf32>
        %gt3A_106 = arith.cmpf ogt, %gather3A_78, %gt3A_105 : vector<16xf32>
        tpu.vector_store_idx %arg20[%while3A_70], %max3A_104 masked %eq3A_31 : memref<1008xf32, #tpu.memory_space<vmem>>[vector<16xi32>], vector<16xf32>, vector<16xi1>
        %jit3A_107 = arith.constant 0.000000e+00 : f32
        %broadcast_in_dim3A_108 = vector.broadcast %jit3A_107 : f32 to vector<16xf32>
        %select_n3A_109 = arith.select %gt3A_106, %gather3A_76, %broadcast_in_dim3A_108 : vector<16xi1>, vector<16xf32>
        tpu.vector_store_idx %arg21[%while3A_70], %select_n3A_109 masked %eq3A_31 : memref<1008xf32, #tpu.memory_space<vmem>>[vector<16xi32>], vector<16xf32>, vector<16xi1>
        %jit3A_110 = arith.constant 1 : i32
        %jit3A_111 = arith.constant 0 : i32
        %broadcast_in_dim3A_112 = vector.broadcast %jit3A_110 : i32 to vector<16xi32>
        %broadcast_in_dim3A_113 = vector.broadcast %jit3A_111 : i32 to vector<16xi32>
        %select_n3A_114 = arith.select %gt3A_106, %broadcast_in_dim3A_112, %broadcast_in_dim3A_113 : vector<16xi1>, vector<16xi32>
        %add3A_115 = arith.addi %while3A_70, %select_n3A_114 : vector<16xi32>
        %not3A = arith.constant dense<true> : vector<16xi1>
        %not3A_116 = arith.xori %gt3A_106, %not3A : vector<16xi1>
        %and3A = arith.andi %eq3A_31, %not3A_116 : vector<16xi1>
        %broadcast_in_dim3A_117 = arith.constant 1.000000e+00 : f32
        %broadcast_in_dim3A_118 = vector.broadcast %broadcast_in_dim3A_117 : f32 to vector<16xf32>
        tpu.vector_store_idx %arg27[%gather3A_77], %broadcast_in_dim3A_118 masked %and3A : memref<64xf32, #tpu.memory_space<vmem>>[vector<16xi32>], vector<16xf32>, vector<16xi1>
        tpu.vector_store_idx %arg28[%gather3A_77], %gather3A masked %and3A : memref<64xf32, #tpu.memory_space<vmem>>[vector<16xi32>], vector<16xf32>, vector<16xi1>
        tpu.vector_store_idx %arg29[%gather3A_77], %gather3A_72 masked %and3A : memref<64xf32, #tpu.memory_space<vmem>>[vector<16xi32>], vector<16xf32>, vector<16xi1>
        tpu.vector_store_idx %arg30[%gather3A_77], %gather3A_73 masked %and3A : memref<64xf32, #tpu.memory_space<vmem>>[vector<16xi32>], vector<16xf32>, vector<16xi1>
        tpu.vector_store_idx %arg31[%gather3A_77], %gather3A_74 masked %and3A : memref<64xf32, #tpu.memory_space<vmem>>[vector<16xi32>], vector<16xf32>, vector<16xi1>
        %broadcast_in_dim3A_119 = arith.constant -1.000000e+00 : f32
        %broadcast_in_dim3A_120 = vector.broadcast %broadcast_in_dim3A_119 : f32 to vector<16xf32>
        tpu.vector_store_idx %arg18[%while3A_66], %broadcast_in_dim3A_120 masked %eq3A_31 : memref<1008xf32, #tpu.memory_space<vmem>>[vector<16xi32>], vector<16xf32>, vector<16xi1>
        %add3A_121 = arith.constant 15 : i32
        %add3A_122 = arith.addi %while3A_71, %add3A_121 : i32
        %shift_right_arithmetic3A = arith.constant 4 : i32
        %shift_right_arithmetic3A_123 = arith.shrsi %add3A_122, %shift_right_arithmetic3A : i32
        %broadcast_in_dim3A_124 = arith.constant -2.000000e+00 : f32
        %broadcast_in_dim3A_125 = vector.broadcast %broadcast_in_dim3A_124 : f32 to vector<16xf32>
        %broadcast_in_dim3A_126 = arith.constant -1 : i32
        %broadcast_in_dim3A_127 = vector.broadcast %broadcast_in_dim3A_126 : i32 to vector<16xi32>
        %parallel_loop3A_128 = arith.constant 0 : i32
        %parallel_loop3A_129 = arith.constant 1 : i32
        %parallel_loop3A_130:6 = scf.for %parallel_loop3A_189 = %parallel_loop3A_128 to %shift_right_arithmetic3A_123 step %parallel_loop3A_129 iter_args(%parallel_loop3A_190 = %broadcast_in_dim3A_3, %parallel_loop3A_191 = %broadcast_in_dim3A_3, %parallel_loop3A_192 = %lt3A_36, %parallel_loop3A_193 = %broadcast_in_dim3A_125, %parallel_loop3A_194 = %broadcast_in_dim3A_127, %parallel_loop3A_195 = %broadcast_in_dim3A_33) -> (vector<16xf32>, vector<16xf32>, vector<16xi1>, vector<16xf32>, vector<16xi32>, vector<16xi32>)  : i32 {
          %parallel_loop3A_196 = arith.constant 16 : i32
          %parallel_loop3A_197 = arith.muli %parallel_loop3A_189, %parallel_loop3A_196 : i32
          %parallel_loop3A_198 = tpu.assume_multiple %parallel_loop3A_197, 16 : i32
          %parallel_loop3A_199 = arith.index_cast %parallel_loop3A_198 : i32 to index
          %parallel_loop3A_200 = tpu.vector_load %arg13[%parallel_loop3A_199] {strides = array<i32>} : memref<1008xf32, #tpu.memory_space<vmem>>, vector<16xf32>,
          %parallel_loop3A_201 = arith.index_cast %parallel_loop3A_198 : i32 to index
          %parallel_loop3A_202 = tpu.vector_load %arg14[%parallel_loop3A_201] {strides = array<i32>} : memref<1008xf32, #tpu.memory_space<vmem>>, vector<16xf32>,
          %parallel_loop3A_203 = arith.index_cast %parallel_loop3A_198 : i32 to index
          %parallel_loop3A_204 = tpu.vector_load %arg15[%parallel_loop3A_203] {strides = array<i32>} : memref<1008xf32, #tpu.memory_space<vmem>>, vector<16xf32>,
          %parallel_loop3A_205 = arith.index_cast %parallel_loop3A_198 : i32 to index
          %parallel_loop3A_206 = tpu.vector_load %arg16[%parallel_loop3A_205] {strides = array<i32>} : memref<1008xf32, #tpu.memory_space<vmem>>, vector<16xf32>,
          %parallel_loop3A_207 = arith.index_cast %parallel_loop3A_198 : i32 to index
          %parallel_loop3A_208 = tpu.vector_load %arg17[%parallel_loop3A_207] {strides = array<i32>} : memref<1008xf32, #tpu.memory_space<vmem>>, vector<16xf32>,
          %parallel_loop3A_209 = arith.index_cast %parallel_loop3A_198 : i32 to index
          %parallel_loop3A_210 = tpu.vector_load %arg22[%parallel_loop3A_209] {strides = array<i32>} : memref<1008xi32, #tpu.memory_space<vmem>>, vector<16xi32>,
          %parallel_loop3A_211 = arith.index_cast %parallel_loop3A_198 : i32 to index
          %parallel_loop3A_212 = tpu.vector_load %arg19[%parallel_loop3A_211] {strides = array<i32>} : memref<1008xf32, #tpu.memory_space<vmem>>, vector<16xf32>,
          %parallel_loop3A_213 = arith.index_cast %parallel_loop3A_198 : i32 to index
          %parallel_loop3A_214 = tpu.vector_load %arg18[%parallel_loop3A_213] {strides = array<i32>} : memref<1008xf32, #tpu.memory_space<vmem>>, vector<16xf32>,
          %parallel_loop3A_215 = tpu.vector_load_idx %arg27[%parallel_loop3A_210] : memref<64xf32, #tpu.memory_space<vmem>>[vector<16xi32>], vector<16xf32>,
          %parallel_loop3A_216 = arith.minimumf %parallel_loop3A_204, %gather3A_73 : vector<16xf32>
          %parallel_loop3A_217 = arith.maximumf %parallel_loop3A_200, %gather3A : vector<16xf32>
          %parallel_loop3A_218 = arith.subf %parallel_loop3A_216, %parallel_loop3A_217 : vector<16xf32>
          %parallel_loop3A_219 = arith.constant 0.000000e+00 : f32
          %parallel_loop3A_220 = vector.broadcast %parallel_loop3A_219 : f32 to vector<16xf32>
          %parallel_loop3A_221 = arith.maximumf %parallel_loop3A_218, %parallel_loop3A_220 : vector<16xf32>
          %parallel_loop3A_222 = arith.minimumf %parallel_loop3A_206, %gather3A_74 : vector<16xf32>
          %parallel_loop3A_223 = arith.maximumf %parallel_loop3A_202, %gather3A_72 : vector<16xf32>
          %parallel_loop3A_224 = arith.subf %parallel_loop3A_222, %parallel_loop3A_223 : vector<16xf32>
          %parallel_loop3A_225 = arith.constant 0.000000e+00 : f32
          %parallel_loop3A_226 = vector.broadcast %parallel_loop3A_225 : f32 to vector<16xf32>
          %parallel_loop3A_227 = arith.maximumf %parallel_loop3A_224, %parallel_loop3A_226 : vector<16xf32>
          %parallel_loop3A_228 = arith.mulf %parallel_loop3A_221, %parallel_loop3A_227 : vector<16xf32>
          %parallel_loop3A_229 = arith.addf %parallel_loop3A_208, %gather3A_75 : vector<16xf32>
          %parallel_loop3A_230 = arith.subf %parallel_loop3A_229, %parallel_loop3A_228 : vector<16xf32>
          %parallel_loop3A_231 = arith.constant 9.99999997E-7 : f32
          %parallel_loop3A_232 = vector.broadcast %parallel_loop3A_231 : f32 to vector<16xf32>
          %parallel_loop3A_233 = arith.maximumf %parallel_loop3A_230, %parallel_loop3A_232 : vector<16xf32>
          %parallel_loop3A_234 = arith.divf %parallel_loop3A_228, %parallel_loop3A_233 : vector<16xf32>
          %parallel_loop3A_235 = arith.constant 0.000000e+00 : f32
          %parallel_loop3A_236 = vector.broadcast %parallel_loop3A_235 : f32 to vector<16xf32>
          %parallel_loop3A_237 = arith.cmpf oge, %parallel_loop3A_214, %parallel_loop3A_236 : vector<16xf32>
          %parallel_loop3A_238 = arith.constant 5.000000e-01 : f32
          %parallel_loop3A_239 = vector.broadcast %parallel_loop3A_238 : f32 to vector<16xf32>
          %parallel_loop3A_240 = arith.cmpf ogt, %parallel_loop3A_234, %parallel_loop3A_239 : vector<16xf32>
          %parallel_loop3A_241 = arith.andi %parallel_loop3A_237, %parallel_loop3A_240 : vector<16xi1>
          %parallel_loop3A_242 = arith.cmpi ne, %parallel_loop3A_210, %gather3A_77 : vector<16xi32>
          %parallel_loop3A_243 = arith.andi %parallel_loop3A_241, %parallel_loop3A_242 : vector<16xi1>
          %parallel_loop3A_244 = arith.constant 0.000000e+00 : f32
          %parallel_loop3A_245 = vector.broadcast %parallel_loop3A_244 : f32 to vector<16xf32>
          %parallel_loop3A_246 = arith.cmpf olt, %parallel_loop3A_215, %parallel_loop3A_245 : vector<16xf32>
          %parallel_loop3A_247 = arith.andi %parallel_loop3A_243, %parallel_loop3A_246 : vector<16xi1>
          %parallel_loop3A_248 = arith.constant 0.000000e+00 : f32
          %parallel_loop3A_249 = vector.broadcast %parallel_loop3A_248 : f32 to vector<16xf32>
          %parallel_loop3A_250 = arith.select %parallel_loop3A_247, %parallel_loop3A_212, %parallel_loop3A_249 : vector<16xi1>, vector<16xf32>
          %parallel_loop3A_251 = arith.addf %parallel_loop3A_190, %parallel_loop3A_250 : vector<16xf32>
          %parallel_loop3A_252 = arith.constant 1.000000e+00 : f32
          %parallel_loop3A_253 = arith.constant 0.000000e+00 : f32
          %parallel_loop3A_254 = vector.broadcast %parallel_loop3A_252 : f32 to vector<16xf32>
          %parallel_loop3A_255 = vector.broadcast %parallel_loop3A_253 : f32 to vector<16xf32>
          %parallel_loop3A_256 = arith.select %parallel_loop3A_247, %parallel_loop3A_254, %parallel_loop3A_255 : vector<16xi1>, vector<16xf32>
          %parallel_loop3A_257 = arith.addf %parallel_loop3A_191, %parallel_loop3A_256 : vector<16xf32>
          %parallel_loop3A_258 = arith.ori %parallel_loop3A_192, %parallel_loop3A_243 : vector<16xi1>
          %parallel_loop3A_259 = arith.constant -1.000000e+00 : f32
          %parallel_loop3A_260 = vector.broadcast %parallel_loop3A_259 : f32 to vector<16xf32>
          %parallel_loop3A_261 = arith.select %parallel_loop3A_241, %parallel_loop3A_260, %parallel_loop3A_214 : vector<16xi1>, vector<16xf32>
          %parallel_loop3A_262 = arith.index_cast %parallel_loop3A_198 : i32 to index
          %parallel_loop3A_263 = tpu.vector_load %arg18[%parallel_loop3A_262] {strides = array<i32>} : memref<1008xf32, #tpu.memory_space<vmem>>, vector<16xf32>,
          tpu.vector_store %arg18[%parallel_loop3A_262], %parallel_loop3A_261 {strides = array<i32>} : memref<1008xf32, #tpu.memory_space<vmem>>, vector<16xf32>,
          %parallel_loop3A_264 = arith.constant 0.000000e+00 : f32
          %parallel_loop3A_265 = vector.broadcast %parallel_loop3A_264 : f32 to vector<16xf32>
          %parallel_loop3A_266 = arith.cmpf oge, %parallel_loop3A_261, %parallel_loop3A_265 : vector<16xf32>
          %parallel_loop3A_267 = arith.constant 1 : i32
          %parallel_loop3A_268 = arith.constant 0 : i32
          %parallel_loop3A_269 = vector.broadcast %parallel_loop3A_267 : i32 to vector<16xi32>
          %parallel_loop3A_270 = vector.broadcast %parallel_loop3A_268 : i32 to vector<16xi32>
          %parallel_loop3A_271 = arith.select %parallel_loop3A_266, %parallel_loop3A_269, %parallel_loop3A_270 : vector<16xi1>, vector<16xi32>
          %parallel_loop3A_272 = arith.addi %parallel_loop3A_195, %parallel_loop3A_271 : vector<16xi32>
          %parallel_loop3A_273 = arith.constant 16 : i32
          %parallel_loop3A_274 = arith.muli %parallel_loop3A_189, %parallel_loop3A_273 : i32
          %parallel_loop3A_275 = vector.broadcast %parallel_loop3A_274 : i32 to vector<16xi32>
          %parallel_loop3A_276 = arith.addi %iota3A, %parallel_loop3A_275 : vector<16xi32>
          %parallel_loop3A_277 = arith.cmpf ogt, %parallel_loop3A_261, %parallel_loop3A_193 : vector<16xf32>
          %parallel_loop3A_278 = arith.cmpf oeq, %parallel_loop3A_261, %parallel_loop3A_193 : vector<16xf32>
          %parallel_loop3A_279 = arith.cmpi sgt, %parallel_loop3A_276, %parallel_loop3A_194 : vector<16xi32>
          %parallel_loop3A_280 = arith.andi %parallel_loop3A_278, %parallel_loop3A_279 : vector<16xi1>
          %parallel_loop3A_281 = arith.ori %parallel_loop3A_277, %parallel_loop3A_280 : vector<16xi1>
          %parallel_loop3A_282 = arith.select %parallel_loop3A_281, %parallel_loop3A_261, %parallel_loop3A_193 : vector<16xi1>, vector<16xf32>
          %parallel_loop3A_283 = arith.select %parallel_loop3A_281, %parallel_loop3A_276, %parallel_loop3A_194 : vector<16xi1>, vector<16xi32>
          scf.yield %parallel_loop3A_251, %parallel_loop3A_257, %parallel_loop3A_258, %parallel_loop3A_282, %parallel_loop3A_283, %parallel_loop3A_272 : vector<16xf32>, vector<16xf32>, vector<16xi1>, vector<16xf32>, vector<16xi32>, vector<16xi32>
        } {sc.loop_unroll_factor = 2 : i64, sc.parallel_access}
        %all_reduce_population_count3A = tpu.all_reduce %parallel_loop3A_130#2 {dim = 0 : i64, kind = #tpu.reduction_kind<sum>} : vector<16xi1> -> vector<16xi32>
        %gt3A_131 = arith.constant 0 : i32
        %gt3A_132 = vector.broadcast %gt3A_131 : i32 to vector<16xi32>
        %gt3A_133 = arith.cmpi sgt, %all_reduce_population_count3A, %gt3A_132 : vector<16xi32>
        %reduce_sum3A_134 = arith.constant true
        %reduce_sum3A_135 = vector.broadcast %reduce_sum3A_134 : i1 to vector<16xi1>
        %reduce_sum3A_136 = tpu.scan <sum>, %parallel_loop3A_130#1 masked %reduce_sum3A_135 : vector<16xf32>, vector<16xi1> -> vector<16xf32>
        %reduce_sum3A_137 = vector.extract %reduce_sum3A_136[15] : f32 from vector<16xf32>
        %broadcast_in_dim3A_138 = vector.broadcast %reduce_sum3A_137 : f32 to vector<16xf32>
        %reduce_sum3A_139 = arith.constant true
        %reduce_sum3A_140 = vector.broadcast %reduce_sum3A_139 : i1 to vector<16xi1>
        %reduce_sum3A_141 = tpu.scan <sum>, %parallel_loop3A_130#0 masked %reduce_sum3A_140 : vector<16xf32>, vector<16xi1> -> vector<16xf32>
        %reduce_sum3A_142 = vector.extract %reduce_sum3A_141[15] : f32 from vector<16xf32>
        %broadcast_in_dim3A_143 = vector.broadcast %reduce_sum3A_142 : f32 to vector<16xf32>
        %add3A_144 = arith.constant 9.99999997E-7 : f32
        %add3A_145 = vector.broadcast %add3A_144 : f32 to vector<16xf32>
        %add3A_146 = arith.addf %broadcast_in_dim3A_138, %add3A_145 : vector<16xf32>
        %div3A_147 = arith.divf %broadcast_in_dim3A_143, %add3A_146 : vector<16xf32>
        %jit3A_148 = arith.constant 0.000000e+00 : f32
        %broadcast_in_dim3A_149 = vector.broadcast %jit3A_148 : f32 to vector<16xf32>
        %select_n3A_150 = arith.select %gt3A_133, %div3A_147, %broadcast_in_dim3A_149 : vector<16xi1>, vector<16xf32>
        %add3A_151 = arith.addf %while3A_68, %select_n3A_150 : vector<16xf32>
        %jit3A_152 = arith.constant 1.000000e+00 : f32
        %jit3A_153 = arith.constant 0.000000e+00 : f32
        %broadcast_in_dim3A_154 = vector.broadcast %jit3A_152 : f32 to vector<16xf32>
        %broadcast_in_dim3A_155 = vector.broadcast %jit3A_153 : f32 to vector<16xf32>
        %select_n3A_156 = arith.select %gt3A_133, %broadcast_in_dim3A_154, %broadcast_in_dim3A_155 : vector<16xi1>, vector<16xf32>
        %add3A_157 = arith.addf %while3A_69, %select_n3A_156 : vector<16xf32>
        %reduce_max3A_158 = arith.constant true
        %reduce_max3A_159 = vector.broadcast %reduce_max3A_158 : i1 to vector<16xi1>
        %reduce_max3A_160 = tpu.scan <max>, %parallel_loop3A_130#3 masked %reduce_max3A_159 : vector<16xf32>, vector<16xi1> -> vector<16xf32>
        %reduce_max3A_161 = vector.extract %reduce_max3A_160[15] : f32 from vector<16xf32>
        %eq3A_162 = vector.broadcast %reduce_max3A_161 : f32 to vector<16xf32>
        %eq3A_163 = arith.cmpf oeq, %parallel_loop3A_130#3, %eq3A_162 : vector<16xf32>
        %jit3A_164 = arith.constant -2147483647 : i32
        %broadcast_in_dim3A_165 = vector.broadcast %jit3A_164 : i32 to vector<16xi32>
        %select_n3A_166 = arith.select %eq3A_163, %parallel_loop3A_130#4, %broadcast_in_dim3A_165 : vector<16xi1>, vector<16xi32>
        %reduce_max3A_167 = arith.constant true
        %reduce_max3A_168 = vector.broadcast %reduce_max3A_167 : i1 to vector<16xi1>
        %reduce_max3A_169 = arith.constant -2147483648 : i32
        %reduce_max3A_170 = vector.broadcast %reduce_max3A_169 : i32 to vector<16xi32>
        %reduce_max3A_171 = arith.xori %select_n3A_166, %reduce_max3A_170 : vector<16xi32>
        %reduce_max3A_172 = tpu.scan <max>, %reduce_max3A_171 masked %reduce_max3A_168 : vector<16xi32>, vector<16xi1> -> vector<16xi32>
        %reduce_max3A_173 = arith.xori %reduce_max3A_172, %reduce_max3A_170 : vector<16xi32>
        %reduce_max3A_174 = vector.extract %reduce_max3A_173[15] : i32 from vector<16xi32>
        %broadcast_in_dim3A_175 = vector.broadcast %reduce_max3A_174 : i32 to vector<16xi32>
        %reduce_sum3A_176 = arith.constant true
        %reduce_sum3A_177 = vector.broadcast %reduce_sum3A_176 : i1 to vector<16xi1>
        %reduce_sum3A_178 = tpu.scan <sum>, %parallel_loop3A_130#5 masked %reduce_sum3A_177 : vector<16xi32>, vector<16xi1> -> vector<16xi32>
        %reduce_sum3A_179 = vector.extract %reduce_sum3A_178[15] : i32 from vector<16xi32>
        %mul3A_180 = arith.constant 4 : i32
        %mul3A_181 = arith.muli %reduce_sum3A_179, %mul3A_180 : i32
        %mul3A_182 = arith.constant 3 : i32
        %mul3A_183 = arith.muli %while3A_71, %mul3A_182 : i32
        %lt3A_184 = arith.cmpi slt, %mul3A_181, %mul3A_183 : i32
        %convert_element_type3A_185 = arith.extui %lt3A_184 : i1 to i32
        %cond3A_186 = arith.constant 0 : i32
        %cond3A_187 = arith.cmpi ne, %convert_element_type3A_185, %cond3A_186 : i32
        %cond3A_188:2 = scf.if %cond3A_187 -> (vector<16xi32>, i32) {
          %add3A_189 = arith.constant 15 : i32
          %add3A_190 = arith.addi %while3A_71, %add3A_189 : i32
          %shift_right_arithmetic3A_191 = arith.constant 4 : i32
          %shift_right_arithmetic3A_192 = arith.shrsi %add3A_190, %shift_right_arithmetic3A_191 : i32
          %while3A_193 = arith.constant 0 : i32
          %while3A_194 = arith.subi %shift_right_arithmetic3A_192, %while3A_193 : i32
          %while3A_195 = arith.addi %while3A_193, %while3A_194 : i32
          %while3A_196 = arith.constant 1 : i32
          %while3A_197 = arith.divsi %while3A_194, %while3A_196 : i32
          %while3A_198 = arith.muli %while3A_197, %while3A_196 : i32
          %while3A_199 = arith.addi %while3A_193, %while3A_198 : i32
          %while3A_200 = arith.constant 1 : i32
          %while3A_201:2 = scf.for %while3A_221 = %while3A_193 to %while3A_199 step %while3A_200 iter_args(%while3A_222 = %broadcast_in_dim3A_33, %while3A_223 = %broadcast_in_dim3A_33) -> (vector<16xi32>, vector<16xi32>)  : i32 {
            %mul3A_224 = arith.constant 16 : i32
            %mul3A_225 = arith.muli %while3A_221, %mul3A_224 : i32
            %multiple_of3A_226 = tpu.assume_multiple %mul3A_225, 16 : i32
            %get3A_227 = arith.index_cast %multiple_of3A_226 : i32 to index
            %get3A_228 = tpu.vector_load %arg18[%get3A_227] {strides = array<i32>} : memref<1008xf32, #tpu.memory_space<vmem>>, vector<16xf32>,
            %ge3A = arith.constant 0.000000e+00 : f32
            %ge3A_229 = vector.broadcast %ge3A : f32 to vector<16xf32>
            %ge3A_230 = arith.cmpf oge, %get3A_228, %ge3A_229 : vector<16xf32>
            %jit3A_231 = arith.constant 1 : i32
            %jit3A_232 = arith.constant 0 : i32
            %broadcast_in_dim3A_233 = vector.broadcast %jit3A_231 : i32 to vector<16xi32>
            %broadcast_in_dim3A_234 = vector.broadcast %jit3A_232 : i32 to vector<16xi32>
            %select_n3A_235 = arith.select %ge3A_230, %broadcast_in_dim3A_233, %broadcast_in_dim3A_234 : vector<16xi1>, vector<16xi32>
            %broadcast_in_dim3A_236 = arith.constant true
            %broadcast_in_dim3A_237 = vector.broadcast %broadcast_in_dim3A_236 : i1 to vector<16xi1>
            %masked_cumsum3A = tpu.scan <sum>, %select_n3A_235 masked %broadcast_in_dim3A_237 : vector<16xi32>, vector<16xi1> -> vector<16xi32>
            %add3A_238 = arith.addi %while3A_222, %masked_cumsum3A : vector<16xi32>
            %sub3A_239 = arith.constant 1 : i32
            %sub3A_240 = vector.broadcast %sub3A_239 : i32 to vector<16xi32>
            %sub3A_241 = arith.subi %add3A_238, %sub3A_240 : vector<16xi32>
            %get3A_242 = arith.index_cast %multiple_of3A_226 : i32 to index
            %get3A_243 = tpu.vector_load %arg13[%get3A_242] {strides = array<i32>} : memref<1008xf32, #tpu.memory_space<vmem>>, vector<16xf32>,
            tpu.vector_store_idx %arg13[%sub3A_241], %get3A_243 masked %ge3A_230 : memref<1008xf32, #tpu.memory_space<vmem>>[vector<16xi32>], vector<16xf32>, vector<16xi1>
            %get3A_244 = arith.index_cast %multiple_of3A_226 : i32 to index
            %get3A_245 = tpu.vector_load %arg14[%get3A_244] {strides = array<i32>} : memref<1008xf32, #tpu.memory_space<vmem>>, vector<16xf32>,
            tpu.vector_store_idx %arg14[%sub3A_241], %get3A_245 masked %ge3A_230 : memref<1008xf32, #tpu.memory_space<vmem>>[vector<16xi32>], vector<16xf32>, vector<16xi1>
            %get3A_246 = arith.index_cast %multiple_of3A_226 : i32 to index
            %get3A_247 = tpu.vector_load %arg15[%get3A_246] {strides = array<i32>} : memref<1008xf32, #tpu.memory_space<vmem>>, vector<16xf32>,
            tpu.vector_store_idx %arg15[%sub3A_241], %get3A_247 masked %ge3A_230 : memref<1008xf32, #tpu.memory_space<vmem>>[vector<16xi32>], vector<16xf32>, vector<16xi1>
            %get3A_248 = arith.index_cast %multiple_of3A_226 : i32 to index
            %get3A_249 = tpu.vector_load %arg16[%get3A_248] {strides = array<i32>} : memref<1008xf32, #tpu.memory_space<vmem>>, vector<16xf32>,
            tpu.vector_store_idx %arg16[%sub3A_241], %get3A_249 masked %ge3A_230 : memref<1008xf32, #tpu.memory_space<vmem>>[vector<16xi32>], vector<16xf32>, vector<16xi1>
            %get3A_250 = arith.index_cast %multiple_of3A_226 : i32 to index
            %get3A_251 = tpu.vector_load %arg17[%get3A_250] {strides = array<i32>} : memref<1008xf32, #tpu.memory_space<vmem>>, vector<16xf32>,
            tpu.vector_store_idx %arg17[%sub3A_241], %get3A_251 masked %ge3A_230 : memref<1008xf32, #tpu.memory_space<vmem>>[vector<16xi32>], vector<16xf32>, vector<16xi1>
            %get3A_252 = arith.index_cast %multiple_of3A_226 : i32 to index
            %get3A_253 = tpu.vector_load %arg22[%get3A_252] {strides = array<i32>} : memref<1008xi32, #tpu.memory_space<vmem>>, vector<16xi32>,
            tpu.vector_store_idx %arg22[%sub3A_241], %get3A_253 masked %ge3A_230 : memref<1008xi32, #tpu.memory_space<vmem>>[vector<16xi32>], vector<16xi32>, vector<16xi1>
            %get3A_254 = arith.index_cast %multiple_of3A_226 : i32 to index
            %get3A_255 = tpu.vector_load %arg19[%get3A_254] {strides = array<i32>} : memref<1008xf32, #tpu.memory_space<vmem>>, vector<16xf32>,
            tpu.vector_store_idx %arg19[%sub3A_241], %get3A_255 masked %ge3A_230 : memref<1008xf32, #tpu.memory_space<vmem>>[vector<16xi32>], vector<16xf32>, vector<16xi1>
            tpu.vector_store_idx %arg18[%sub3A_241], %get3A_228 masked %ge3A_230 : memref<1008xf32, #tpu.memory_space<vmem>>[vector<16xi32>], vector<16xf32>, vector<16xi1>
            %mul3A_256 = arith.constant 16 : i32
            %mul3A_257 = arith.muli %while3A_221, %mul3A_256 : i32
            %add3A_258 = vector.broadcast %mul3A_257 : i32 to vector<16xi32>
            %add3A_259 = arith.addi %iota3A, %add3A_258 : vector<16xi32>
            %lt3A_260 = arith.cmpi slt, %add3A_259, %broadcast_in_dim3A_175 : vector<16xi32>
            %and3A_261 = arith.andi %ge3A_230, %lt3A_260 : vector<16xi1>
            %jit3A_262 = arith.constant 1 : i32
            %jit3A_263 = arith.constant 0 : i32
            %broadcast_in_dim3A_264 = vector.broadcast %jit3A_262 : i32 to vector<16xi32>
            %broadcast_in_dim3A_265 = vector.broadcast %jit3A_263 : i32 to vector<16xi32>
            %select_n3A_266 = arith.select %and3A_261, %broadcast_in_dim3A_264, %broadcast_in_dim3A_265 : vector<16xi1>, vector<16xi32>
            %add3A_267 = arith.addi %while3A_223, %select_n3A_266 : vector<16xi32>
            %all_reduce_population_count3A_268 = tpu.all_reduce %ge3A_230 {dim = 0 : i64, kind = #tpu.reduction_kind<sum>} : vector<16xi1> -> vector<16xi32>
            %add3A_269 = arith.addi %while3A_222, %all_reduce_population_count3A_268 : vector<16xi32>
            scf.yield %add3A_269, %add3A_267 : vector<16xi32>, vector<16xi32>
          }
          %while3A_202 = arith.constant 1 : i32
          %while3A_203:2 = scf.for %while3A_221 = %while3A_199 to %while3A_195 step %while3A_202 iter_args(%while3A_222 = %while3A_201#0, %while3A_223 = %while3A_201#1) -> (vector<16xi32>, vector<16xi32>)  : i32 {
            %mul3A_224 = arith.constant 16 : i32
            %mul3A_225 = arith.muli %while3A_221, %mul3A_224 : i32
            %multiple_of3A_226 = tpu.assume_multiple %mul3A_225, 16 : i32
            %get3A_227 = arith.index_cast %multiple_of3A_226 : i32 to index
            %get3A_228 = tpu.vector_load %arg18[%get3A_227] {strides = array<i32>} : memref<1008xf32, #tpu.memory_space<vmem>>, vector<16xf32>,
            %ge3A = arith.constant 0.000000e+00 : f32
            %ge3A_229 = vector.broadcast %ge3A : f32 to vector<16xf32>
            %ge3A_230 = arith.cmpf oge, %get3A_228, %ge3A_229 : vector<16xf32>
            %jit3A_231 = arith.constant 1 : i32
            %jit3A_232 = arith.constant 0 : i32
            %broadcast_in_dim3A_233 = vector.broadcast %jit3A_231 : i32 to vector<16xi32>
            %broadcast_in_dim3A_234 = vector.broadcast %jit3A_232 : i32 to vector<16xi32>
            %select_n3A_235 = arith.select %ge3A_230, %broadcast_in_dim3A_233, %broadcast_in_dim3A_234 : vector<16xi1>, vector<16xi32>
            %broadcast_in_dim3A_236 = arith.constant true
            %broadcast_in_dim3A_237 = vector.broadcast %broadcast_in_dim3A_236 : i1 to vector<16xi1>
            %masked_cumsum3A = tpu.scan <sum>, %select_n3A_235 masked %broadcast_in_dim3A_237 : vector<16xi32>, vector<16xi1> -> vector<16xi32>
            %add3A_238 = arith.addi %while3A_222, %masked_cumsum3A : vector<16xi32>
            %sub3A_239 = arith.constant 1 : i32
            %sub3A_240 = vector.broadcast %sub3A_239 : i32 to vector<16xi32>
            %sub3A_241 = arith.subi %add3A_238, %sub3A_240 : vector<16xi32>
            %get3A_242 = arith.index_cast %multiple_of3A_226 : i32 to index
            %get3A_243 = tpu.vector_load %arg13[%get3A_242] {strides = array<i32>} : memref<1008xf32, #tpu.memory_space<vmem>>, vector<16xf32>,
            tpu.vector_store_idx %arg13[%sub3A_241], %get3A_243 masked %ge3A_230 : memref<1008xf32, #tpu.memory_space<vmem>>[vector<16xi32>], vector<16xf32>, vector<16xi1>
            %get3A_244 = arith.index_cast %multiple_of3A_226 : i32 to index
            %get3A_245 = tpu.vector_load %arg14[%get3A_244] {strides = array<i32>} : memref<1008xf32, #tpu.memory_space<vmem>>, vector<16xf32>,
            tpu.vector_store_idx %arg14[%sub3A_241], %get3A_245 masked %ge3A_230 : memref<1008xf32, #tpu.memory_space<vmem>>[vector<16xi32>], vector<16xf32>, vector<16xi1>
            %get3A_246 = arith.index_cast %multiple_of3A_226 : i32 to index
            %get3A_247 = tpu.vector_load %arg15[%get3A_246] {strides = array<i32>} : memref<1008xf32, #tpu.memory_space<vmem>>, vector<16xf32>,
            tpu.vector_store_idx %arg15[%sub3A_241], %get3A_247 masked %ge3A_230 : memref<1008xf32, #tpu.memory_space<vmem>>[vector<16xi32>], vector<16xf32>, vector<16xi1>
            %get3A_248 = arith.index_cast %multiple_of3A_226 : i32 to index
            %get3A_249 = tpu.vector_load %arg16[%get3A_248] {strides = array<i32>} : memref<1008xf32, #tpu.memory_space<vmem>>, vector<16xf32>,
            tpu.vector_store_idx %arg16[%sub3A_241], %get3A_249 masked %ge3A_230 : memref<1008xf32, #tpu.memory_space<vmem>>[vector<16xi32>], vector<16xf32>, vector<16xi1>
            %get3A_250 = arith.index_cast %multiple_of3A_226 : i32 to index
            %get3A_251 = tpu.vector_load %arg17[%get3A_250] {strides = array<i32>} : memref<1008xf32, #tpu.memory_space<vmem>>, vector<16xf32>,
            tpu.vector_store_idx %arg17[%sub3A_241], %get3A_251 masked %ge3A_230 : memref<1008xf32, #tpu.memory_space<vmem>>[vector<16xi32>], vector<16xf32>, vector<16xi1>
            %get3A_252 = arith.index_cast %multiple_of3A_226 : i32 to index
            %get3A_253 = tpu.vector_load %arg22[%get3A_252] {strides = array<i32>} : memref<1008xi32, #tpu.memory_space<vmem>>, vector<16xi32>,
            tpu.vector_store_idx %arg22[%sub3A_241], %get3A_253 masked %ge3A_230 : memref<1008xi32, #tpu.memory_space<vmem>>[vector<16xi32>], vector<16xi32>, vector<16xi1>
            %get3A_254 = arith.index_cast %multiple_of3A_226 : i32 to index
            %get3A_255 = tpu.vector_load %arg19[%get3A_254] {strides = array<i32>} : memref<1008xf32, #tpu.memory_space<vmem>>, vector<16xf32>,
            tpu.vector_store_idx %arg19[%sub3A_241], %get3A_255 masked %ge3A_230 : memref<1008xf32, #tpu.memory_space<vmem>>[vector<16xi32>], vector<16xf32>, vector<16xi1>
            tpu.vector_store_idx %arg18[%sub3A_241], %get3A_228 masked %ge3A_230 : memref<1008xf32, #tpu.memory_space<vmem>>[vector<16xi32>], vector<16xf32>, vector<16xi1>
            %mul3A_256 = arith.constant 16 : i32
            %mul3A_257 = arith.muli %while3A_221, %mul3A_256 : i32
            %add3A_258 = vector.broadcast %mul3A_257 : i32 to vector<16xi32>
            %add3A_259 = arith.addi %iota3A, %add3A_258 : vector<16xi32>
            %lt3A_260 = arith.cmpi slt, %add3A_259, %broadcast_in_dim3A_175 : vector<16xi32>
            %and3A_261 = arith.andi %ge3A_230, %lt3A_260 : vector<16xi1>
            %jit3A_262 = arith.constant 1 : i32
            %jit3A_263 = arith.constant 0 : i32
            %broadcast_in_dim3A_264 = vector.broadcast %jit3A_262 : i32 to vector<16xi32>
            %broadcast_in_dim3A_265 = vector.broadcast %jit3A_263 : i32 to vector<16xi32>
            %select_n3A_266 = arith.select %and3A_261, %broadcast_in_dim3A_264, %broadcast_in_dim3A_265 : vector<16xi1>, vector<16xi32>
            %add3A_267 = arith.addi %while3A_223, %select_n3A_266 : vector<16xi32>
            %all_reduce_population_count3A_268 = tpu.all_reduce %ge3A_230 {dim = 0 : i64, kind = #tpu.reduction_kind<sum>} : vector<16xi1> -> vector<16xi32>
            %add3A_269 = arith.addi %while3A_222, %all_reduce_population_count3A_268 : vector<16xi32>
            scf.yield %add3A_269, %add3A_267 : vector<16xi32>, vector<16xi32>
          }
          %shift_right_arithmetic3A_204 = arith.constant 4 : i32
          %shift_right_arithmetic3A_205 = arith.shrsi %reduce_sum3A_179, %shift_right_arithmetic3A_204 : i32
          %shift_left3A = arith.constant 4 : i32
          %shift_left3A_206 = arith.shli %shift_right_arithmetic3A_205, %shift_left3A : i32
          %sub3A_207 = arith.subi %reduce_sum3A_179, %shift_left3A_206 : i32
          %multiple_of3A = tpu.assume_multiple %shift_left3A_206, 16 : i32
          %get3A = arith.index_cast %multiple_of3A : i32 to index
          %get3A_208 = tpu.vector_load %arg18[%get3A] {strides = array<i32>} : memref<1008xf32, #tpu.memory_space<vmem>>, vector<16xf32>,
          %lt3A_209 = vector.broadcast %sub3A_207 : i32 to vector<16xi32>
          %lt3A_210 = arith.cmpi slt, %iota3A, %lt3A_209 : vector<16xi32>
          %jit3A_211 = arith.constant -1.000000e+00 : f32
          %broadcast_in_dim3A_212 = vector.broadcast %jit3A_211 : f32 to vector<16xf32>
          %select_n3A_213 = arith.select %lt3A_210, %get3A_208, %broadcast_in_dim3A_212 : vector<16xi1>, vector<16xf32>
          %swap3A_214 = arith.index_cast %multiple_of3A : i32 to index
          %swap3A_215 = tpu.vector_load %arg18[%swap3A_214] {strides = array<i32>} : memref<1008xf32, #tpu.memory_space<vmem>>, vector<16xf32>,
          tpu.vector_store %arg18[%swap3A_214], %select_n3A_213 {strides = array<i32>} : memref<1008xf32, #tpu.memory_space<vmem>>, vector<16xf32>,
          %reduce_sum3A_216 = arith.constant true
          %reduce_sum3A_217 = vector.broadcast %reduce_sum3A_216 : i1 to vector<16xi1>
          %reduce_sum3A_218 = tpu.scan <sum>, %while3A_203#1 masked %reduce_sum3A_217 : vector<16xi32>, vector<16xi1> -> vector<16xi32>
          %reduce_sum3A_219 = vector.extract %reduce_sum3A_218[15] : i32 from vector<16xi32>
          %broadcast_in_dim3A_220 = vector.broadcast %reduce_sum3A_219 : i32 to vector<16xi32>
          scf.yield %broadcast_in_dim3A_220, %reduce_sum3A_179 : vector<16xi32>, i32
        } else {
          scf.yield %broadcast_in_dim3A_175, %while3A_71 : vector<16xi32>, i32
        }
        scf.yield %cond3A_188#0, %reduce_max3A_161, %add3A_151, %add3A_157, %add3A_115, %cond3A_188#1 : vector<16xi32>, f32, vector<16xf32>, vector<16xf32>, vector<16xi32>, i32
      }
      %parallel_loop3A_39 = arith.constant 0 : i32
      %parallel_loop3A_40 = arith.constant 63 : i32
      %parallel_loop3A_41 = arith.constant 1 : i32
      %parallel_loop3A_42 = scf.for %parallel_loop3A_66 = %parallel_loop3A_39 to %parallel_loop3A_40 step %parallel_loop3A_41 iter_args(%parallel_loop3A_67 = %broadcast_in_dim3A_3) -> (vector<16xf32>)  : i32 {
        %parallel_loop3A_68 = arith.constant 16 : i32
        %parallel_loop3A_69 = arith.muli %parallel_loop3A_66, %parallel_loop3A_68 : i32
        %parallel_loop3A_70 = tpu.assume_multiple %parallel_loop3A_69, 16 : i32
        %parallel_loop3A_71 = arith.index_cast %parallel_loop3A_70 : i32 to index
        %parallel_loop3A_72 = tpu.vector_load %arg20[%parallel_loop3A_71] {strides = array<i32>} : memref<1008xf32, #tpu.memory_space<vmem>>, vector<16xf32>,
        %parallel_loop3A_73 = arith.constant 5.000000e-01 : f32
        %parallel_loop3A_74 = vector.broadcast %parallel_loop3A_73 : f32 to vector<16xf32>
        %parallel_loop3A_75 = arith.addf %parallel_loop3A_74, %parallel_loop3A_72 : vector<16xf32>
        %parallel_loop3A_76 = vector.bitcast %parallel_loop3A_75 : vector<16xf32> to vector<16xi32>
        %parallel_loop3A_77 = arith.constant 23 : i32
        %parallel_loop3A_78 = vector.broadcast %parallel_loop3A_77 : i32 to vector<16xi32>
        %parallel_loop3A_79 = arith.shrsi %parallel_loop3A_76, %parallel_loop3A_78 : vector<16xi32>
        %parallel_loop3A_80 = arith.constant 127 : i32
        %parallel_loop3A_81 = vector.broadcast %parallel_loop3A_80 : i32 to vector<16xi32>
        %parallel_loop3A_82 = arith.subi %parallel_loop3A_79, %parallel_loop3A_81 : vector<16xi32>
        %parallel_loop3A_83 = arith.constant 8388607 : i32
        %parallel_loop3A_84 = vector.broadcast %parallel_loop3A_83 : i32 to vector<16xi32>
        %parallel_loop3A_85 = arith.andi %parallel_loop3A_76, %parallel_loop3A_84 : vector<16xi32>
        %parallel_loop3A_86 = arith.constant 1065353216 : i32
        %parallel_loop3A_87 = vector.broadcast %parallel_loop3A_86 : i32 to vector<16xi32>
        %parallel_loop3A_88 = arith.ori %parallel_loop3A_85, %parallel_loop3A_87 : vector<16xi32>
        %parallel_loop3A_89 = vector.bitcast %parallel_loop3A_88 : vector<16xi32> to vector<16xf32>
        %parallel_loop3A_90 = arith.constant 1.41421354 : f32
        %parallel_loop3A_91 = vector.broadcast %parallel_loop3A_90 : f32 to vector<16xf32>
        %parallel_loop3A_92 = arith.cmpf ogt, %parallel_loop3A_89, %parallel_loop3A_91 : vector<16xf32>
        %parallel_loop3A_93 = arith.constant 5.000000e-01 : f32
        %parallel_loop3A_94 = vector.broadcast %parallel_loop3A_93 : f32 to vector<16xf32>
        %parallel_loop3A_95 = arith.mulf %parallel_loop3A_89, %parallel_loop3A_94 : vector<16xf32>
        %parallel_loop3A_96 = arith.select %parallel_loop3A_92, %parallel_loop3A_95, %parallel_loop3A_89 : vector<16xi1>, vector<16xf32>
        %parallel_loop3A_97 = arith.constant 1 : i32
        %parallel_loop3A_98 = arith.constant 0 : i32
        %parallel_loop3A_99 = vector.broadcast %parallel_loop3A_97 : i32 to vector<16xi32>
        %parallel_loop3A_100 = vector.broadcast %parallel_loop3A_98 : i32 to vector<16xi32>
        %parallel_loop3A_101 = arith.select %parallel_loop3A_92, %parallel_loop3A_99, %parallel_loop3A_100 : vector<16xi1>, vector<16xi32>
        %parallel_loop3A_102 = arith.addi %parallel_loop3A_82, %parallel_loop3A_101 : vector<16xi32>
        %parallel_loop3A_103 = arith.constant 1.000000e+00 : f32
        %parallel_loop3A_104 = vector.broadcast %parallel_loop3A_103 : f32 to vector<16xf32>
        %parallel_loop3A_105 = arith.subf %parallel_loop3A_96, %parallel_loop3A_104 : vector<16xf32>
        %parallel_loop3A_106 = arith.constant 1.000000e+00 : f32
        %parallel_loop3A_107 = vector.broadcast %parallel_loop3A_106 : f32 to vector<16xf32>
        %parallel_loop3A_108 = arith.addf %parallel_loop3A_96, %parallel_loop3A_107 : vector<16xf32>
        %parallel_loop3A_109 = arith.divf %parallel_loop3A_105, %parallel_loop3A_108 : vector<16xf32>
        %parallel_loop3A_110 = arith.mulf %parallel_loop3A_109, %parallel_loop3A_109 : vector<16xf32>
        %parallel_loop3A_111 = arith.constant 0.222222224 : f32
        %parallel_loop3A_112 = vector.broadcast %parallel_loop3A_111 : f32 to vector<16xf32>
        %parallel_loop3A_113 = arith.mulf %parallel_loop3A_110, %parallel_loop3A_112 : vector<16xf32>
        %parallel_loop3A_114 = arith.constant 0.285714298 : f32
        %parallel_loop3A_115 = vector.broadcast %parallel_loop3A_114 : f32 to vector<16xf32>
        %parallel_loop3A_116 = arith.addf %parallel_loop3A_115, %parallel_loop3A_113 : vector<16xf32>
        %parallel_loop3A_117 = arith.mulf %parallel_loop3A_110, %parallel_loop3A_116 : vector<16xf32>
        %parallel_loop3A_118 = arith.constant 4.000000e-01 : f32
        %parallel_loop3A_119 = vector.broadcast %parallel_loop3A_118 : f32 to vector<16xf32>
        %parallel_loop3A_120 = arith.addf %parallel_loop3A_119, %parallel_loop3A_117 : vector<16xf32>
        %parallel_loop3A_121 = arith.mulf %parallel_loop3A_110, %parallel_loop3A_120 : vector<16xf32>
        %parallel_loop3A_122 = arith.constant 0.666666686 : f32
        %parallel_loop3A_123 = vector.broadcast %parallel_loop3A_122 : f32 to vector<16xf32>
        %parallel_loop3A_124 = arith.addf %parallel_loop3A_123, %parallel_loop3A_121 : vector<16xf32>
        %parallel_loop3A_125 = arith.mulf %parallel_loop3A_110, %parallel_loop3A_124 : vector<16xf32>
        %parallel_loop3A_126 = arith.constant 2.000000e+00 : f32
        %parallel_loop3A_127 = vector.broadcast %parallel_loop3A_126 : f32 to vector<16xf32>
        %parallel_loop3A_128 = arith.addf %parallel_loop3A_127, %parallel_loop3A_125 : vector<16xf32>
        %parallel_loop3A_129 = arith.mulf %parallel_loop3A_109, %parallel_loop3A_128 : vector<16xf32>
        %parallel_loop3A_130 = arith.sitofp %parallel_loop3A_102 : vector<16xi32> to vector<16xf32>
        %parallel_loop3A_131 = arith.constant 0.693147182 : f32
        %parallel_loop3A_132 = vector.broadcast %parallel_loop3A_131 : f32 to vector<16xf32>
        %parallel_loop3A_133 = arith.mulf %parallel_loop3A_130, %parallel_loop3A_132 : vector<16xf32>
        %parallel_loop3A_134 = arith.addf %parallel_loop3A_133, %parallel_loop3A_129 : vector<16xf32>
        %parallel_loop3A_135 = arith.constant 0.000000e+00 : f32
        %parallel_loop3A_136 = vector.broadcast %parallel_loop3A_135 : f32 to vector<16xf32>
        %parallel_loop3A_137 = arith.subf %parallel_loop3A_136, %parallel_loop3A_134 : vector<16xf32>
        %parallel_loop3A_138 = arith.index_cast %parallel_loop3A_70 : i32 to index
        %parallel_loop3A_139 = tpu.vector_load %arg21[%parallel_loop3A_138] {strides = array<i32>} : memref<1008xf32, #tpu.memory_space<vmem>>, vector<16xf32>,
        %parallel_loop3A_140 = arith.mulf %parallel_loop3A_137, %parallel_loop3A_139 : vector<16xf32>
        %parallel_loop3A_141 = arith.addf %parallel_loop3A_67, %parallel_loop3A_140 : vector<16xf32>
        scf.yield %parallel_loop3A_141 : vector<16xf32>
      } {sc.loop_unroll_factor = 1 : i64, sc.parallel_access}
      %reduce_sum3A = arith.constant true
      %reduce_sum3A_43 = vector.broadcast %reduce_sum3A : i1 to vector<16xi1>
      %reduce_sum3A_44 = tpu.scan <sum>, %parallel_loop3A_42 masked %reduce_sum3A_43 : vector<16xf32>, vector<16xi1> -> vector<16xf32>
      %reduce_sum3A_45 = vector.extract %reduce_sum3A_44[15] : f32 from vector<16xf32>
      %broadcast_in_dim3A_46 = vector.broadcast %reduce_sum3A_45 : f32 to vector<16xf32>
      %convert_element_type3A_47 = arith.sitofp %while3A_38#4 : vector<16xi32> to vector<16xf32>
      %add3A_48 = arith.constant 9.99999997E-7 : f32
      %add3A_49 = vector.broadcast %add3A_48 : f32 to vector<16xf32>
      %add3A_50 = arith.addf %convert_element_type3A_47, %add3A_49 : vector<16xf32>
      %div3A = arith.divf %broadcast_in_dim3A_46, %add3A_50 : vector<16xf32>
      %add3A_51 = arith.constant 9.99999997E-7 : f32
      %add3A_52 = vector.broadcast %add3A_51 : f32 to vector<16xf32>
      %add3A_53 = arith.addf %while3A_38#3, %add3A_52 : vector<16xf32>
      %div3A_54 = arith.divf %while3A_38#2, %add3A_53 : vector<16xf32>
      %eq3A_55 = arith.constant 0 : i32
      %eq3A_56 = vector.broadcast %eq3A_55 : i32 to vector<16xi32>
      %eq3A_57 = arith.cmpi eq, %iota3A, %eq3A_56 : vector<16xi32>
      %eq3A_58 = arith.constant 1 : i32
      %eq3A_59 = vector.broadcast %eq3A_58 : i32 to vector<16xi32>
      %eq3A_60 = arith.cmpi eq, %iota3A, %eq3A_59 : vector<16xi32>
      %jit3A_61 = arith.constant 0.000000e+00 : f32
      %broadcast_in_dim3A_62 = vector.broadcast %jit3A_61 : f32 to vector<16xf32>
      %select_n3A_63 = arith.select %eq3A_60, %div3A, %broadcast_in_dim3A_62 : vector<16xi1>, vector<16xf32>
      %select_n3A_64 = arith.select %eq3A_57, %div3A_54, %select_n3A_63 : vector<16xi1>, vector<16xf32>
      %swap3A = arith.constant 0 : index
      %swap3A_65 = tpu.vector_load %arg32[%swap3A] {strides = array<i32>} : memref<16xf32, #tpu.memory_space<vmem>>, vector<16xf32>,
      tpu.vector_store %arg32[%swap3A], %select_n3A_64 {strides = array<i32>} : memref<16xf32, #tpu.memory_space<vmem>>, vector<16xf32>,
      "tpu.region"() ({
        %run_scoped3A = tpu.sem_alloc : memref<!tpu.dma_semaphore, #tpu.memory_space<semaphore_mem>>
        %dma_start3A = arith.constant 0 : i32
        %dma_start3A_66 = tpu.memref_slice %arg12[%add3A, %dma_start3A] : memref<4x16xf32, #tpu.memory_space<hbm>> -> memref<1x16xf32, #tpu.memory_space<hbm>>
        %dma_start3A_67 = tpu.memref_squeeze %dma_start3A_66 : memref<1x16xf32, #tpu.memory_space<hbm>> -> memref<16xf32, #tpu.memory_space<hbm>>
        %dma_start3A_68 = arith.constant 0 : i32
        %dma_start3A_69 = tpu.memref_slice %arg12[%add3A, %dma_start3A_68] : memref<4x16xf32, #tpu.memory_space<hbm>> -> memref<1x16xf32, #tpu.memory_space<hbm>>
        %dma_start3A_70 = tpu.memref_squeeze %dma_start3A_69 : memref<1x16xf32, #tpu.memory_space<hbm>> -> memref<16xf32, #tpu.memory_space<hbm>>
        tpu.enqueue_dma source(%arg32 : memref<16xf32, #tpu.memory_space<vmem>>) target(%dma_start3A_70 : memref<16xf32, #tpu.memory_space<hbm>>) target_semaphore(%run_scoped3A : memref<!tpu.dma_semaphore, #tpu.memory_space<semaphore_mem>>)
        %dma_wait3A = arith.constant 0 : i32
        %dma_wait3A_71 = tpu.memref_slice %arg12[%add3A, %dma_wait3A] : memref<4x16xf32, #tpu.memory_space<hbm>> -> memref<1x16xf32, #tpu.memory_space<hbm>>
        %dma_wait3A_72 = tpu.memref_squeeze %dma_wait3A_71 : memref<1x16xf32, #tpu.memory_space<hbm>> -> memref<16xf32, #tpu.memory_space<hbm>>
        %dma_wait3A_73 = arith.constant 0 : i32
        %dma_wait3A_74 = tpu.memref_slice %arg12[%add3A, %dma_wait3A_73] : memref<4x16xf32, #tpu.memory_space<hbm>> -> memref<1x16xf32, #tpu.memory_space<hbm>>
        %dma_wait3A_75 = tpu.memref_squeeze %dma_wait3A_74 : memref<1x16xf32, #tpu.memory_space<hbm>> -> memref<16xf32, #tpu.memory_space<hbm>>
        tpu.wait_dma2 semaphore(%run_scoped3A : memref<!tpu.dma_semaphore, #tpu.memory_space<semaphore_mem>>) src(%arg32 : memref<16xf32, #tpu.memory_space<vmem>>) dst(%dma_wait3A_75 : memref<16xf32, #tpu.memory_space<hbm>>)
        tpu.yield
      }) : () -> ()
    } else {
    }
    return
  }
}

</mosaic_0001>

<sc_bundles>
// kernel: kernel.3.cloned.1.call-start
scs
__scs_entry_jumppad:
0x0: {  	(pc) =	sbr.rel $0x88, $3  }
0x1: {  	(tag) =	ssettag $0x0;
	lr =	simm.s32 $0x1  }
0x2: {  	[smem:$0x3F9E] =	sst lr;
	_ =	strace $0xD0000000  }
0x3: {  	_ = 	snop  }
0x4: {  	_ = 	snop  }
0x5: {  	_ = 	snop  }
0x6: {  	_ = 	snop  }
0x7: {  	_ = 	snop  }
__scs_overlays_trampoline_lowered:
0x8: {  	[smem:$0x3FAD] =	sst s0  }
0x9: {  	[smem:$0x3FAE] =	sst s1  }
0xa: {  	[smem:$0x3FAF] =	sst s2  }
0xb: {  	[smem:$0x3FB0] =	sst s3  }
0xc: {  	[smem:$0x3FB1] =	sst s4  }
0xd: {  	[smem:$0x3FB2] =	sst s5  }
0xe: {  	[smem:$0x3FB3] =	sst s6  }
0xf: {  	[smem:$0x3FB4] =	sst s7  }
0x10: {  	[smem:$0x3FB5] =	sst s8  }
0x11: {  	[smem:$0x3FB6] =	sst s9;
	s0 =	simm.s32 @!p0 $0x0  }
0x12: {  	s1 =	sld [smem:$0x3F9C];
	s0 =	simm.s32 @p0 $0x1  }
0x13: {  	[smem:$0x3FB7] =	sst s0;
	s0 =	simm.s32 @!p1 $0x0  }
0x14: {  	s2 =	sld [smem:$0x3F9B];
	s0 =	simm.s32 @p1 $0x1  }
0x15: {  	[smem:$0x3FB8] =	sst s0;
	s0 =	simm.s32 @!p2 $0x0  }
0x16: {  	s3 =	sld [smem:$0x3FDB];
	s0 =	simm.s32 @p2 $0x1  }
0x17: {  	s4 =	simm.s32 $0x1BF5;
	[smem:$0x3FBA] =	sst s0  }
0x18: {  	s0 =	sld [smem:$0x3F9D];
	_ =	swait.ge [sflag:s4], $0x0  }
0x19: {  	s7 =	sld [smem:$0x3F9E]  }
0x1a: {  	s8 =	sadd.s32 $0xFFFFE003, lr  }
0x1b: {  	s9 =	sadd.s32 $0xFFFFFEF7, lr;
	s5 =	simm.s32 $0xFFFFFFFF;
	p2 =	slt.u32 s8, $0xFFFFF086  }
0x1c: {  	p1 =	slt.u32 s9, $0xF7A;
	s5 =	simm.s32 @!p2 $0x0  }
0x1d: {  	s5 =	simm.s32 @p1 $0x1;
	p0 =	seq.s32 s7, s2  }
0x1e: {  	s7 =	smul.u32 @!p0 $0xF7A, s2;
	p2 =	seq.s32 @!p0 s5, $0x0  }
0x1f: {  	s9 =	smul.u32 $0xF7A, s1;
	s8 =	simm.s32 @!p0 $0x1BF5;
	p2 =	por !p2, p0  }
0x20: {  	[sflag:s8] =	ssyncset.s32 @!p0 $0xFFFFF086;
	s6 =	sadd.s32 @!p0 s3, s7;
	s7 =	simm.s32 @!p0 $0x108  }
0x21: {  	s3 =	sadd.s32 s3, s9;
	s6 =	sadd.s32 @!p0 $0x88, s6;
	s7 =	simm.s32 @p2 $0x1082  }
0x22: {  	[simem:s7], [sflag:s8] =	dma.local @!p0 [hbm:s6], $0xF7A  }
0x23: {  	s9 =	sor.u32 $0xD0000000, s2;
	s6 =	simm.s32 $0x108;
	_ =	swait.ge @!p0 [sflag:s8], $0x0  }
0x24: {  	s3 =	sadd.s32 $0x88, s3;
	s6 =	simm.s32 @!p1 $0x1082;
	[sflag:s4] =	ssyncset.s32 $0xFFFFF086  }
0x25: {  	[simem:s6], [sflag:s4] =	dma.local [hbm:s3], $0xF7A  }
0x26: {  	[smem:$0x3F9E] =	sst s1;
	(tag) =	ssettag s2;
	_ =	strace s9  }
0x27: {  	s1 =	sld [smem:$0x3FAE]  }
0x28: {  	s2 =	sld [smem:$0x3FAF]  }
0x29: {  	s4 =	sld [smem:$0x3FB1]  }
0x2a: {  	p0 =	seq.s32 s5, $0x0;
	s5 =	sld [smem:$0x3FB2]  }
0x2b: {  	s6 =	sld [smem:$0x3FB3]  }
0x2c: {  	s7 =	sld [smem:$0x3FB4]  }
0x2d: {  	s3 =	simm.s32 $0x108;
	s8 =	sld [smem:$0x3FB5]  }
0x2e: {  	s3 =	simm.s32 @!p0 $0x1082;
	s9 =	sld [smem:$0x3FB6]  }
0x2f: {  	lr =	sadd.s32 s0, s3;
	s0 =	sld [smem:$0x3FAD]  }
0x30: {  	s3 =	sld [smem:$0x3FB0]  }
0x31: {  	[smem:$0x3FB9] =	sst s10  }
0x32: {  	s10 =	sld [smem:$0x3FB7];
	_ =	sdelay $0x3  }
0x33: {  	p0 =	seq.s32 s10, $0x1;
	s10 =	sld [smem:$0x3FB9];
	_ =	sdelay $0x3  }
0x34: {  	[smem:$0x3FB9] =	sst s10  }
0x35: {  	s10 =	sld [smem:$0x3FB8];
	_ =	sdelay $0x3  }
0x36: {  	p1 =	seq.s32 s10, $0x1;
	s10 =	sld [smem:$0x3FB9];
	_ =	sdelay $0x3  }
0x37: {  	[smem:$0x3FB9] =	sst s10  }
0x38: {  	s10 =	sld [smem:$0x3FBA]  }
0x39: {  	_ = 	snop;
	(pc) =	sbr.ind lr, $3  }
0x3a: {  	_ = 	snop  }
0x3b: {  	_ = 	snop  }
0x3c: {  	p2 =	seq.s32 s10, $0x1;
	s10 =	sld [smem:$0x3FB9]  }
0x3d: {  	_ =	shalt  }
0x3e: {  	_ =	shalt  }
0x3f: {  	_ =	shalt  }
0x40: {  	_ =	shalt  }
0x41: {  	_ =	shalt  }
0x42: {  	_ =	shalt  }
0x43: {  	_ =	shalt  }
0x44: {  	_ =	shalt  }
0x45: {  	_ =	shalt  }
0x46: {  	_ =	shalt  }
0x47: {  	_ =	shalt  }
0x48: {  	_ =	shalt  }
0x49: {  	_ =	shalt  }
0x4a: {  	_ =	shalt  }
0x4b: {  	_ =	shalt  }
0x4c: {  	_ =	shalt  }
0x4d: {  	_ =	shalt  }
0x4e: {  	_ =	shalt  }
0x4f: {  	_ =	shalt  }
0x50: {  	_ =	shalt  }
0x51: {  	_ =	shalt  }
0x52: {  	_ =	shalt  }
0x53: {  	_ =	shalt  }
0x54: {  	_ =	shalt  }
0x55: {  	_ =	shalt  }
0x56: {  	_ =	shalt  }
0x57: {  	_ =	shalt  }
0x58: {  	_ =	shalt  }
0x59: {  	_ =	shalt  }
0x5a: {  	_ =	shalt  }
0x5b: {  	_ =	shalt  }
0x5c: {  	_ =	shalt  }
0x5d: {  	_ =	shalt  }
0x5e: {  	_ =	shalt  }
0x5f: {  	_ =	shalt  }
0x60: {  	_ =	shalt  }
0x61: {  	_ =	shalt  }
0x62: {  	_ =	shalt  }
0x63: {  	_ =	shalt  }
0x64: {  	_ =	shalt  }
0x65: {  	_ =	shalt  }
0x66: {  	_ =	shalt  }
0x67: {  	_ =	shalt  }
0x68: {  	_ =	shalt  }
0x69: {  	_ =	shalt  }
0x6a: {  	_ =	shalt  }
0x6b: {  	_ =	shalt  }
0x6c: {  	_ =	shalt  }
0x6d: {  	_ =	shalt  }
0x6e: {  	_ =	shalt  }
0x6f: {  	_ =	shalt  }
0x70: {  	_ =	shalt  }
0x71: {  	_ =	shalt  }
0x72: {  	_ =	shalt  }
0x73: {  	_ =	shalt  }
0x74: {  	_ =	shalt  }
0x75: {  	_ =	shalt  }
0x76: {  	_ =	shalt  }
0x77: {  	_ =	shalt  }
0x78: {  	_ =	shalt  }
0x79: {  	_ =	shalt  }
0x7a: {  	_ =	shalt  }
0x7b: {  	_ =	shalt  }
0x7c: {  	_ =	shalt  }
0x7d: {  	_ =	shalt  }
0x7e: {  	_ =	shalt  }
0x7f: {  	_ =	shalt  }
0x80: {  	_ =	shalt  }
0x81: {  	_ =	shalt  }
0x82: {  	_ =	shalt  }
0x83: {  	_ =	shalt  }
0x84: {  	_ =	shalt  }
0x85: {  	_ =	shalt  }
0x86: {  	_ =	shalt  }
0x87: {  	_ =	shalt  }
.Lfunc_end0:
.L_simem_size_0:
called_computation_lowered:
.L_overlay_start_0:
0x88: {  	s2 =	sld [smem:$0x3FD9]  }
0x89: {  	s3 =	sld [smem:$0x3FFE];
	_ =	sdelay $0x1  }
0x8a: {  	s1 =	srdreg.scid  }
0x8b: {  	s0 =	sand.u32 $0x1, s1  }
0x8c: {  	s16 =	sshll.u32 s0, $0xA;
	s2 =	sadd.s32 s3, s2  }
0x8d: {  	s2 =	sadd.s32 s2, s16  }
0x8e: {  	[smem:$0x3FC5] =	sst s2  }
0x8f: {  	_ = 	snop  }
0x90: {  	(tm) =	ssettm $0x1  }
0x91: {  	s17 =	sld [smem:$0x3FFB];
	_ =	sdelay $0x3  }
0x92: {  	_ =	strace s17  }
0x93: {  	s2 =	sld [smem:$0x3FFC];
	_ =	sdelay $0x3  }
0x94: {  	_ =	strace s2  }
0x95: {  	s2 =	sld [smem:$0x3FFD];
	_ =	sdelay $0x3  }
0x96: {  	_ =	strace s2  }
0x97: {  	_ =	strace $0x8FFFFFFF  }
0x98: {  	s18 =	sld [smem:$0x3FDB];
	_ =	sdelay $0x1  }
0x99: {  	s19 =	simm.s32 $_scs_section_size  }
0x9a: {  	s4 =	simm.s32 $_size__tile_overlayer_lowered;
	s5 =	simm.s32 $_tile_overlayer_lowered  }
0x9b: {  	s22 =	simm.s32 $0x1BFF;
	s21 =	sshll.u32 s5, $0x1;
	s2 =	sadd.s32 s19, s18  }
0x9c: {  	s6 =	simm.s32 $0x0;
	s20 =	sshll.u32 s4, $0x1;
	s4 =	sadd.s32 s21, s2  }
0x9d: {  	[timem:s6], [sflag:s22] =	dma.local [hbm:s4], s20  }
0x9e: {  	_ =	swait.ge [sflag:s22], s20  }
0x9f: {  	s3 =	ssub.s32 $0x0, s20;
	[sflag:s22] =	ssyncset.done $0x0  }
0xa0: {  	[sflag:s22] =	ssyncadd.s32 s3;
	_ =	sdelay $0x1  }
0xa1: {  	s23 =	simm.s32 $0x1B8B  }
0xa2: {  	_ =	swait.ge [sflag:s23], $0x1  }
0xa3: {  	[sflag:s23] =	ssyncset.done $0x0  }
0xa4: {  	s25 =	simm.s32 $0x1B8E;
	s24 =	sld [smem:$0x3FFE];
	[sflag:s23] =	ssyncadd.s32 $0xFFFFFFFF  }
0xa5: {  	s26 =	simm.s32 $execute0_lowered;
	[smem:$0x3FD2] =	sst s25  }
0xa6: {  	s4 =	sshll.u32 s26, $0x1;
	_ =	strace $0x80000046;
	[dreg:$0x1] =	wrdreg $0xFFFFFFFF  }
0xa7: {  	s28 =	simm.s32 $_size_execute0_lowered;
	s2 =	sadd.s32 s2, s4;
	[dreg:$0x0] =	wrdreg $0x0  }
0xa8: {  	s4 =	sshll.u32 s28, $0x1;
	[dreg:$0x2] =	wrdreg s2  }
0xa9: {  	[dreg:$0x3] =	wrdreg s4  }
0xaa: {  	[dreg:$0x4] =	wrdreg $0xC0  }
0xab: {  	_ =	task [dreg:s6], $0x5FFFF  }
0xac: {  	[dreg:$0x1] =	wrdreg $0xFFFFFFFF  }
0xad: {  	[dreg:$0x0] =	wrdreg $0x60  }
0xae: {  	[dreg:$0x2] =	wrdreg s24  }
0xaf: {  	[dreg:$0x3] =	wrdreg $0x9  }
0xb0: {  	_ =	task.clear_ibuf [dreg:s6], $0x4FFFF;
	_ =	strace $0x90000046  }
0xb1: {  	s29 =	simm.s32 $0x9;
	_ =	strace $0x80000048  }
0xb2: {  	_ =	swait.ge [sflag:s29], $0x1  }
0xb3: {  	[sflag:s29] =	ssyncadd.s32 $0xFFFFFFFF  }
0xb4: {  	_ =	strace $0x90000048  }
0xb5: {  	_ =	sfence  }
0xb6: {  	s30 =	sld [smem:$0x0];
	_ =	sdelay $0x2  }
0xb7: {  	s31 =	sshll.u32 s1, $0xD;
	s1 =	sshrl.u32 s1, $0x2  }
0xb8: {  	s3 =	sand.u32 $0x4000, s31;
	s1 =	sadd.s32 s1, s30  }
0xb9: {  	s0 =	sor.u32 s3, s0;
	s1 =	sshll.u32 s1, $0x11  }
0xba: {  	s0 =	sor.u32 s1, s0  }
0xbb: {  	s0 =	sadd.s32 $0x8F2B, s0  }
0xbc: {  	[sflag:s0] =	ssyncadd.remote.s32 $0x1  }
0xbd: {  	_ =	sfence.sel $0xFFFF  }
0xbe: {  	[dreg:$0x0] =	wrdreg $0xFFFFFFFF;
	(pc) =	sbr.abs _section_cstart, $3  }
0xbf: {  	[dreg:$0x1] =	wrdreg $0xFFFFFFFF  }
0xc0: {  	_ =	task.clear_ibuf [dreg:s6], $0x2FFFF;
	_ =	strace $0x9FFFFFFF  }
0xc1: {  	(tm) =	ssettm $0x7FFFFFFF  }
tec
execute0_lowered:
.L_overlay_start_1:
0x0: {  	(tag) =	ssettag $0x1  }
0x1: {  	s1 =	stileid.u32  }
0x2: {  	p0 =	sgt.u32 s1, $0x1  }
.Ltmp0:
0x3: {  	_ = 	snop;
	(pc) =	sbr.rel @p0 .LBB2_19-.Ltmp0, $4  }
0x4: {  	_ = 	snop  }
0x5: {  	s2 =	simm.s32 $0x0  }
0x6: {  	[smem:$0x7FF] =	sst s2  }
0x7: {  	s0 =	rddreg [dreg:$0x0];
	_ =	strace $0x80000047  }
0x8: {  	s1 =	srdreg.scid  }
0x9: {  	s3 =	stileid.u32;
	s1 =	sand.u32 $0x1, s1  }
0xa: {  	s3 =	sshll.u32 s3, $0x5;
	s4 =	sshll.u32 s1, $0x4  }
0xb: {  	s19 =	sadd.s32 $0x400, s0;
	s3 =	sor.u32 s4, s3  }
0xc: {  	s4 =	sadd.s32 s3, s0;
	s0 =	sadd.s32 s19, s3  }
0xd: {  	s5 =	sadd.s32 $0x800, s4;
	[dreg:$0xc] =	wrdreg s0  }
0xe: {  	s20 =	sadd.s32 $0xA00, s4;
	[dreg:$0x3] =	wrdreg s5  }
0xf: {  	s17 =	simm.s32 $0x1;
	s21 =	sadd.s32 $0x1400, s4;
	[dreg:$0x4] =	wrdreg s20  }
0x10: {  	s18 =	simm.s32 $0x400;
	s22 =	sadd.s32 $0x1600, s4;
	[dreg:$0x5] =	wrdreg s21  }
0x11: {  	s29 =	simm.s32 $0x1000;
	s23 =	sadd.s32 $0xC00, s4;
	[dreg:$0x6] =	wrdreg s22  }
0x12: {  	s1 =	ssub.s32 $0x2, s1;
	s24 =	sadd.s32 $0xE00, s4;
	[dreg:$0x7] =	wrdreg s23  }
0x13: {  	s28 =	sshrl.u32 s1, $0x1;
	s25 =	sadd.s32 $0x1000, s4;
	[dreg:$0x8] =	wrdreg s24  }
0x14: {  	s1 =	ssub.s32 s1, s28;
	s26 =	sadd.s32 $0x1200, s4;
	[dreg:$0x9] =	wrdreg s25  }
0x15: {  	s6 =	sadd.s32 $0x600, s4;
	s4 =	sadd.s32 $0x1800, s4;
	[dreg:$0xa] =	wrdreg s26  }
0x16: {  	s30 =	simm.s32 $0x2A00;
	s31 =	smax.u32 s1, $0x1;
	[dreg:$0xb] =	wrdreg s4  }
0x17: {  	s19 =	simm.s32 $0x800;
	s1 =	simm.s32 $0x0;
	[dreg:$0xd] =	wrdreg s31  }
0x18: {  	v0 =	vimm.f32 $-1.000000000e+00;
	v1 =	vimm.f32 $0.0e+00;
	s20 =	simm.s32 $0xC00;
	s21 =	simm.s32 $0x1400;
	s22 =	simm.s32 $0x2400  }
0x19: {  	v2 =	vimm.s32 $0x0;
	v3 =	vlaneseq.u32;
	vm0 =	vcmask $0x3F08;
	s23 =	simm.s32 $0x2800;
	s24 =	simm.s32 $0x2880;
	s25 =	simm.s32 $0x2900  }
0x1a: {  	vm1 =	vmmov $0x1;
	v4 =	vimm.f32 $1.000000000e+00;
	vm2 =	vmxor vm2, vm2;
	s26 =	simm.s32 $0x2980;
	s5 =	simm.s32 $0x1800;
	[dreg:$0x2] =	wrdreg s6  }
.LBB2_2:
0x1b: {  	[dreg:$0xe] =	wrdreg s1;
	s0 =	simm.s32 $0x0  }
0x1c: {  	s7 =	rddreg [dreg:$0xc];
	s3 =	simm.s32 $0x80;
	s4 =	simm.s32 $0x200  }
0x1d: {  	[tilespmem:s0], [sflag:$0x1] =	stream.strided.gather [hbm4b:s7+s3], $0x400, s4, s3, $0x38;
	[tilespmem:$0x2D00] =	vst v63  }
0x1e: {  	_ =	swait.ge [sflag:s17], $0x400  }
0x1f: {  	[sflag:s17] =	ssyncset.done $0x0  }
0x20: {  	[sflag:s17] =	ssyncadd.s32 $0xFFFFFC00  }
0x21: {  	[tilespmem:s18], [sflag:$0x1] =	stream.strided.gather [hbm4b:s6+s3], $0x400, s4, s3, $0x38;
	[tilespmem:$0x2D00] =	vst v63  }
0x22: {  	_ =	swait.ge [sflag:s17], $0x400  }
0x23: {  	[sflag:s17] =	ssyncset.done $0x0  }
0x24: {  	s8 =	rddreg [dreg:$0x3];
	[sflag:s17] =	ssyncadd.s32 $0xFFFFFC00  }
0x25: {  	[tilespmem:s19], [sflag:$0x1] =	stream.strided.gather [hbm4b:s8+s3], $0x400, s4, s3, $0x38;
	[tilespmem:$0x2D00] =	vst v63  }
0x26: {  	_ =	swait.ge [sflag:s17], $0x400  }
0x27: {  	[sflag:s17] =	ssyncset.done $0x0  }
0x28: {  	s9 =	rddreg [dreg:$0x4];
	[sflag:s17] =	ssyncadd.s32 $0xFFFFFC00  }
0x29: {  	[tilespmem:s20], [sflag:$0x1] =	stream.strided.gather [hbm4b:s9+s3], $0x400, s4, s3, $0x38;
	[tilespmem:$0x2D00] =	vst v63  }
0x2a: {  	_ =	swait.ge [sflag:s17], $0x400  }
0x2b: {  	[sflag:s17] =	ssyncset.done $0x0  }
0x2c: {  	s10 =	rddreg [dreg:$0x5];
	[sflag:s17] =	ssyncadd.s32 $0xFFFFFC00  }
0x2d: {  	[tilespmem:s21], [sflag:$0x1] =	stream.strided.gather [hbm4b:s10+s3], $0x400, s4, s3, $0x38;
	[tilespmem:$0x2D00] =	vst v63  }
0x2e: {  	_ =	swait.ge [sflag:s17], $0x400  }
0x2f: {  	[sflag:s17] =	ssyncset.done $0x0  }
0x30: {  	s11 =	rddreg [dreg:$0x6];
	[sflag:s17] =	ssyncadd.s32 $0xFFFFFC00  }
0x31: {  	[tilespmem:s22], [sflag:$0x1] =	stream.strided.gather [hbm4b:s11+s3], $0x400, s4, s3, $0x38;
	[tilespmem:$0x2D00] =	vst v63  }
0x32: {  	_ =	swait.ge [sflag:s17], $0x400  }
0x33: {  	[sflag:s17] =	ssyncset.done $0x0  }
0x34: {  	s12 =	rddreg [dreg:$0x7];
	[sflag:s17] =	ssyncadd.s32 $0xFFFFFC00  }
0x35: {  	[tilespmem:s23], [sflag:$0x1] =	stream.linear.gather [hbm4b:s12+s0], $0x80, $0x38;
	[tilespmem:$0x2D00] =	vst v63  }
0x36: {  	_ =	swait.ge [sflag:s17], $0x80  }
0x37: {  	[sflag:s17] =	ssyncset.done $0x0  }
0x38: {  	s13 =	rddreg [dreg:$0x8];
	[sflag:s17] =	ssyncadd.s32 $0xFFFFFF80  }
0x39: {  	[tilespmem:s24], [sflag:$0x1] =	stream.linear.gather [hbm4b:s13+s0], $0x80, $0x38;
	[tilespmem:$0x2D00] =	vst v63  }
0x3a: {  	_ =	swait.ge [sflag:s17], $0x80  }
0x3b: {  	[sflag:s17] =	ssyncset.done $0x0  }
0x3c: {  	s14 =	rddreg [dreg:$0x9];
	[sflag:s17] =	ssyncadd.s32 $0xFFFFFF80  }
0x3d: {  	[tilespmem:s25], [sflag:$0x1] =	stream.linear.gather [hbm4b:s14+s0], $0x80, $0x38;
	[tilespmem:$0x2D00] =	vst v63  }
0x3e: {  	_ =	swait.ge [sflag:s17], $0x80  }
0x3f: {  	[sflag:s17] =	ssyncset.done $0x0  }
0x40: {  	s15 =	rddreg [dreg:$0xa];
	[sflag:s17] =	ssyncadd.s32 $0xFFFFFF80  }
0x41: {  	[tilespmem:s26], [sflag:$0x1] =	stream.linear.gather [hbm4b:s15+s0], $0x80, $0x38;
	[tilespmem:$0x2D00] =	vst v63  }
0x42: {  	_ =	swait.ge [sflag:s17], $0x80  }
0x43: {  	[sflag:s17] =	ssyncset.done $0x0  }
0x44: {  	[sflag:s17] =	ssyncadd.s32 $0xFFFFFF80  }
0x45: {  	[tilespmem:$0x2A00] =	vst v0  }
0x46: {  	[tilespmem:$0x2A80] =	vst v1  }
0x47: {  	[tilespmem:$0x2B00] =	vst v1  }
0x48: {  	[tilespmem:$0x2B80] =	vst v1  }
0x49: {  	[tilespmem:$0x2C00] =	vst v1  }
0x4a: {  	[tilespmem:$0x2A10] =	vst v0  }
0x4b: {  	[tilespmem:$0x2A90] =	vst v1  }
0x4c: {  	[tilespmem:$0x2B10] =	vst v1  }
0x4d: {  	[tilespmem:$0x2B90] =	vst v1  }
0x4e: {  	[tilespmem:$0x2C10] =	vst v1  }
0x4f: {  	[tilespmem:$0x2A20] =	vst v0  }
0x50: {  	[tilespmem:$0x2AA0] =	vst v1  }
0x51: {  	[tilespmem:$0x2B20] =	vst v1  }
0x52: {  	[tilespmem:$0x2BA0] =	vst v1  }
0x53: {  	[tilespmem:$0x2C20] =	vst v1  }
0x54: {  	[tilespmem:$0x2A30] =	vst v0  }
0x55: {  	[tilespmem:$0x2AB0] =	vst v1  }
0x56: {  	[tilespmem:$0x2B30] =	vst v1  }
0x57: {  	[tilespmem:$0x2BB0] =	vst v1  }
0x58: {  	s7 =	simm.s32 $0x0;
	[tilespmem:$0x2C30] =	vst v1  }
0x59: {  	v6 =	vld [tilespmem:s7+$0x800]  }
0x5a: {  	v7 =	vld [tilespmem:s7+$0xC00]  }
0x5b: {  	v8 =	vld [tilespmem:s7+$0x400]  }
0x5c: {  	v9 =	vld [tilespmem:s7+$0x0];
	_ =	sdelay $0x1  }
0x5d: {  	v10 =	vld [tilespmem:s7+$0x2400];
	_ =	sdelay $0x2  }
0x5e: {  	v5 =	vsub.f32 v7, v8;
	v11 =	vsub.f32 v6, v9;
	_ =	sdelay $0x1  }
0x5f: {  	v11 =	vmul.f32 v5, v11;
	_ =	sdelay $0x1  }
0x60: {  	[tilespmem:s7+$0x1000] =	vst v11  }
0x61: {  	v12 =	vld.idx.msk [tilespmem:v10+s24+$0x0], $0xffff  }
0x62: {  	v13 =	vld.idx.msk [tilespmem:v10+s26+$0x0], $0xffff  }
0x63: {  	v14 =	vld.idx.msk [tilespmem:v10+s25+$0x0], $0xffff  }
0x64: {  	s8 =	simm.s32 $0x10;
	v10 =	vld.idx.msk [tilespmem:v10+s23+$0x0], $0xffff  }
0x65: {  	v15 =	vld [tilespmem:s8+$0x800]  }
0x66: {  	v16 =	vld [tilespmem:s8+$0xC00]  }
0x67: {  	v17 =	vld [tilespmem:s8+$0x400]  }
0x68: {  	v18 =	vld [tilespmem:s8+$0x0];
	v7 =	vmin.f32 v13, v7;
	v8 =	vmax.f32 v12, v8;
	v6 =	vmin.f32 v14, v6  }
0x69: {  	v9 =	vmax.f32 v10, v9;
	v10 =	vsub.f32 v14, v10;
	v12 =	vsub.f32 v13, v12  }
0x6a: {  	v7 =	vsub.f32 v7, v8;
	v8 =	vld [tilespmem:s8+$0x2400];
	v6 =	vsub.f32 v6, v9;
	_ =	sdelay $0x1  }
0x6b: {  	v9 =	vmul.f32 v12, v10;
	v6 =	vmax.f32 v6, $0.0e+00;
	v7 =	vmax.f32 v7, $0.0e+00  }
0x6c: {  	v10 =	vsub.f32 v16, v17;
	v7 =	vmul.f32 v7, v6;
	v6 =	vsub.f32 v15, v18  }
0x6d: {  	v9 =	vadd.f32 v9, v11  }
0x6e: {  	v10 =	vmul.f32 v10, v6  }
0x6f: {  	v9 =	vsub.f32 v9, v7  }
0x70: {  	v5 =	vld [tilespmem:s7+$0x1400];
	[tilespmem:s8+$0x1000] =	vst v10  }
0x71: {  	v9 =	vmax.f32 v9, $9.999999970e-07;
	v11 =	vld.idx.msk [tilespmem:v8+s24+$0x0], $0xffff  }
0x72: {  	(erf) = vrcp.f32 v9;
	v9 =	vld.idx.msk [tilespmem:v8+s26+$0x0], $0xffff  }
0x73: {  	v12 =	vld.idx.msk [tilespmem:v8+s25+$0x0], $0xffff  }
0x74: {  	s9 =	simm.s32 $0x20;
	v8 =	vld.idx.msk [tilespmem:v8+s23+$0x0], $0xffff  }
0x75: {  	v20 =	vld [tilespmem:s9+$0x800]  }
0x76: {  	v19 =	vor.u32 s0, v3;
	v21 =	vld [tilespmem:s9+$0xC00];
	v13 =	vimm.f32 $-2.000000000e+00;
	v14 =	vimm.s32 $0xFFFFFFFF  }
0x77: {  	v22 =	vld [tilespmem:s9+$0x400];
	vm3 =	veq.f32 v5, v13;
	vm4 =	vgt.s32 v19, v14;
	vm5 =	vgt.f32 v5, v13  }
0x78: {  	v23 =	vld [tilespmem:s9+$0x0];
	vm3 =	vmand vm4, vm3;
	v16 =	vmin.f32 v9, v16;
	v15 =	vmin.f32 v12, v15  }
0x79: {  	v6 =	vld [tilespmem:s8+$0x1400];
	v18 =	vmax.f32 v8, v18;
	v8 =	vsub.f32 v12, v8;
	v12 =	vmax.f32 v11, v17  }
0x7a: {  	vm3 =	vmor vm5, vm3;
	v17 =	vld [tilespmem:s9+$0x2400];
	v9 =	vsub.f32 v9, v11;
	v12 =	vsub.f32 v16, v12  }
0x7b: {  	v13 =	vsel vm3, v5, v13;
	v14 =	vsel vm3, v19, v14;
	v15 =	vsub.f32 v15, v18;
	v11 =	vpop (erf)  }
0x7c: {  	v8 =	vmul.f32 v9, v8;
	v9 =	vmax.f32 v12, $0.0e+00;
	v7 =	vmul.f32 v11, v7  }
0x7d: {  	v12 =	vsub.f32 v20, v23;
	v11 =	vmax.f32 v15, $0.0e+00;
	v15 =	vsub.f32 v21, v22  }
0x7e: {  	s16 =	simm.s32 $0x10;
	v8 =	vadd.f32 v8, v10;
	v9 =	vmul.f32 v9, v11;
	v16 =	vadd.f32 $9.999999970e-07, v7  }
0x7f: {  	vm3 =	veq.f32 v6, v13;
	v18 =	vor.u32 s16, v3;
	v10 =	vmul.f32 v15, v12  }
0x80: {  	vm4 =	vgt.s32 v18, v14;
	v7 =	vld [tilespmem:s9+$0x1400];
	v8 =	vsub.f32 v8, v9;
	v11 =	vand.u32 $0x7FFFFF, v16  }
0x81: {  	vm5 =	vgt.f32 v6, v13;
	vm3 =	vmand vm4, vm3;
	[tilespmem:s9+$0x1000] =	vst v10;
	v11 =	vor.u32 $0x3F800000, v11  }
0x82: {  	vm4 =	vmor vm5, vm3;
	v8 =	vmax.f32 v8, $9.999999970e-07;
	v19 =	vld.idx.msk [tilespmem:v17+s25+$0x0], $0xffff;
	v12 =	vmul.f32 $5.000000000e-01, v11  }
0x83: {  	s28 =	simm.s32 $0x20;
	vm3 =	vgt.f32 v11, $1.414213540e+00;
	(erf) = vrcp.f32 v8;
	v8 =	vsel vm4, v18, v14;
	v14 =	vld.idx.msk [tilespmem:v17+s23+$0x0], $0xffff  }
0x84: {  	v13 =	vsel vm4, v6, v13;
	v15 =	vld.idx.msk [tilespmem:v17+s24+$0x0], $0xffff;
	v11 =	vsel vm3, v12, v11;
	v12 =	vor.u32 s28, v3  }
0x85: {  	s10 =	simm.s32 $0x30;
	v17 =	vld.idx.msk [tilespmem:v17+s26+$0x0], $0xffff;
	vm4 =	veq.f32 v7, v13;
	v18 =	vadd.f32 $1.000000000e+00, v11;
	vm5 =	vgt.s32 v12, v8  }
0x86: {  	v25 =	vld [tilespmem:s10+$0x800];
	vm4 =	vmand vm5, vm4;
	vm5 =	vgt.f32 v7, v13  }
0x87: {  	v26 =	vld [tilespmem:s10+$0x400];
	(erf) = vrcp.f32 v18;
	vm4 =	vmor vm5, vm4  }
0x88: {  	v18 =	vld [tilespmem:s10+$0xC00];
	v23 =	vmax.f32 v14, v23;
	v12 =	vsel vm4, v12, v8;
	v8 =	vmin.f32 v19, v20  }
0x89: {  	v22 =	vmax.f32 v15, v22;
	v20 =	vld [tilespmem:s10+$0x0];
	v23 =	vsub.f32 v8, v23  }
0x8a: {  	v21 =	vmin.f32 v17, v21;
	v14 =	vsub.f32 v19, v14;
	v15 =	vsub.f32 v17, v15  }
0x8b: {  	v16 =	vshra.s32 v16, $0x17;
	v19 =	vld [tilespmem:s10+$0x2400];
	v21 =	vsub.f32 v21, v22  }
0x8c: {  	v11 =	vadd.f32 $-1.000000000e+00, v11;
	v17 =	vsel vm3, $0x1, v2;
	v14 =	vmul.f32 v15, v14  }
0x8d: {  	v13 =	vsel vm4, v7, v13;
	v15 =	vmax.f32 v21, $0.0e+00;
	v22 =	vmax.f32 v23, $0.0e+00;
	v23 =	vpop (erf)  }
0x8e: {  	s31 =	simm.s32 $0x30;
	v8 =	vld [tilespmem:s10+$0x1400];
	v24 =	vsub.f32 v18, v26;
	v21 =	vsub.f32 v25, v20;
	v9 =	vmul.f32 v23, v9  }
0x8f: {  	v16 =	vadd.s32 v17, v16;
	v17 =	vor.u32 s31, v3;
	v10 =	vadd.f32 v14, v10  }
0x90: {  	v15 =	vmul.f32 v15, v22;
	v22 =	vmul.f32 v24, v21;
	v14 =	vpop (erf);
	v9 =	vadd.f32 $9.999999970e-07, v9  }
0x91: {  	vm5 =	vgt.s32 v17, v12;
	v16 =	vadd.s32 $0xFFFFFF81, v16;
	v11 =	vmul.f32 v14, v11  }
0x92: {  	v31 =	vcvt.s32.f32 v16;
	v10 =	vsub.f32 v10, v15;
	[tilespmem:s10+$0x1000] =	vst v22;
	v14 =	vand.u32 $0x7FFFFF, v9  }
0x93: {  	vm4 =	veq.f32 v8, v13;
	v21 =	vld.idx.msk [tilespmem:v19+s24+$0x0], $0xffff;
	v23 =	vmul.f32 v11, v11;
	v14 =	vor.u32 $0x3F800000, v14  }
0x94: {  	vm3 =	vgt.f32 v8, v13;
	vm4 =	vmand vm5, vm4;
	v27 =	vld.idx.msk [tilespmem:v19+s26+$0x0], $0xffff;
	v24 =	vmul.f32 $5.000000000e-01, v14  }
0x95: {  	v10 =	vmax.f32 v10, $9.999999970e-07;
	v29 =	vld.idx.msk [tilespmem:v19+s25+$0x0], $0xffff;
	vm5 =	vgt.f32 v14, $1.414213540e+00;
	v28 =	vmul.f32 $2.222222240e-01, v23  }
0x96: {  	s11 =	simm.s32 $0x40;
	vm3 =	vmor vm3, vm4;
	(erf) = vrcp.f32 v10;
	v19 =	vld.idx.msk [tilespmem:v19+s23+$0x0], $0xffff;
	v14 =	vsel vm5, v24, v14  }
0x97: {  	v10 =	vld [tilespmem:s11+$0x1400];
	v33 =	vsel vm3, v8, v13;
	v30 =	vadd.f32 $1.000000000e+00, v14;
	v28 =	vadd.f32 $2.857142980e-01, v28  }
0x98: {  	v16 =	vshra.s32 v9, $0x17;
	v9 =	vsel vm3, v17, v12;
	v17 =	vld [tilespmem:s11+$0x400];
	v32 =	vsel vm5, $0x1, v2  }
0x99: {  	v24 =	vld [tilespmem:s11+$0x800];
	v12 =	vadd.s32 v32, v16;
	(erf) = vrcp.f32 v30;
	v28 =	vmul.f32 v28, v23  }
0x9a: {  	v16 =	vld [tilespmem:s11+$0xC00];
	v13 =	vmin.f32 v27, v18;
	v18 =	vmax.f32 v21, v26;
	v25 =	vmin.f32 v29, v25  }
0x9b: {  	v20 =	vmax.f32 v19, v20;
	v13 =	vsub.f32 v13, v18;
	v18 =	vld [tilespmem:s11+$0x0];
	v26 =	vadd.f32 $4.000000060e-01, v28  }
0x9c: {  	vm3 =	vgt.f32 v10, v33;
	vm4 =	veq.f32 v10, v33;
	v20 =	vsub.f32 v25, v20  }
0x9d: {  	v19 =	vsub.f32 v29, v19;
	v27 =	vsub.f32 v27, v21;
	v25 =	vmul.f32 v26, v23;
	v26 =	vld [tilespmem:s11+$0x2400]  }
0x9e: {  	v12 =	vadd.s32 $0xFFFFFF81, v12;
	v20 =	vmax.f32 v20, $0.0e+00;
	v13 =	vmax.f32 v13, $0.0e+00  }
0x9f: {  	v21 =	vmul.f32 v13, v20;
	v13 =	vmul.f32 v27, v19;
	v28 =	vpop (erf);
	v25 =	vadd.f32 $6.666666860e-01, v25  }
0xa0: {  	v29 =	vsub.f32 v16, v17;
	v19 =	vsub.f32 v24, v18;
	v15 =	vmul.f32 v28, v15  }
0xa1: {  	v14 =	vadd.f32 $-1.000000000e+00, v14;
	v22 =	vadd.f32 v13, v22;
	v25 =	vmul.f32 v25, v23  }
0xa2: {  	v13 =	vcvt.s32.f32 v12;
	v20 =	vmul.f32 v29, v19;
	v23 =	vadd.f32 $9.999999970e-07, v15;
	v12 =	vpop (erf)  }
0xa3: {  	s0 =	simm.s32 $0x40;
	v19 =	vmul.f32 v12, v14;
	v12 =	vsub.f32 v22, v21;
	v25 =	vadd.f32 $2.000000000e+00, v25  }
0xa4: {  	[tilespmem:s11+$0x1000] =	vst v20;
	v22 =	vmul.f32 $6.931471820e-01, v31;
	v14 =	vor.u32 s0, v3;
	v28 =	vand.u32 $0x7FFFFF, v23  }
0xa5: {  	vm5 =	vgt.s32 v14, v9;
	v63 =	vor.u32 $0x3F800000, v28;
	v15 =	vmul.f32 v19, v19;
	v27 =	vld.idx.msk [tilespmem:v26+s24+$0x0], $0xffff  }
0xa6: {  	v28 =	vld.idx.msk [tilespmem:v26+s26+$0x0], $0xffff;
	vm4 =	vmand vm5, vm4;
	v34 =	vmul.f32 $5.000000000e-01, v63;
	v35 =	vmax.f32 v12, $9.999999970e-07  }
0xa7: {  	v30 =	vld.idx.msk [tilespmem:v26+s25+$0x0], $0xffff;
	vm3 =	vmor vm3, vm4;
	vm4 =	vgt.f32 v63, $1.414213540e+00;
	v29 =	vmul.f32 $2.222222240e-01, v15  }
0xa8: {  	s1 =	simm.s32 $0x140;
	[tilespmem:s7+$0x2000] =	vst v1;
	v31 =	vld.idx.msk [tilespmem:v26+s23+$0x0], $0xffff;
	(erf) = vrcp.f32 v35;
	v12 =	vsel vm3, v10, v33;
	v26 =	vsel vm4, v34, v63  }
.LBB2_3:
0xa9: {  	s3 =	sshra.s32 s1, $0x2;
	p0 =	sne.s32 s1, $0xF80;
	s1 =	sadd.s32 $0x40, s1;
	v9 =	vsel vm3, v14, v9;
	v14 =	vadd.f32 $1.000000000e+00, v26;
	v29 =	vadd.f32 $2.857142980e-01, v29;
	[tilespmem:s7+$0x1C00] =	vst v1  }
0xaa: {  	v23 =	vshra.s32 v23, $0x17;
	v33 =	vsel vm4, $0x1, v2;
	v25 =	vmul.f32 v25, v11;
	v11 =	vmovc v19;
	v32 =	vld [tilespmem:s3+$0x1400]  }
0xab: {  	v19 =	vadd.s32 v33, v23;
	v34 =	vld [tilespmem:s3+$0x800];
	(erf) = vrcp.f32 v14;
	v14 =	vmul.f32 v29, v15  }
0xac: {  	v23 =	vmin.f32 v28, v16;
	v29 =	vmax.f32 v27, v17;
	v22 =	vadd.f32 v25, v22;
	v16 =	vld [tilespmem:s3+$0xC00]  }
0xad: {  	v24 =	vmin.f32 v30, v24;
	v23 =	vsub.f32 v23, v29;
	v17 =	vld [tilespmem:s3+$0x400];
	v14 =	vadd.f32 $4.000000060e-01, v14  }
0xae: {  	v25 =	vmax.f32 v31, v18;
	v29 =	vsub.f32 v30, v31;
	v22 =	vsub.f32 $0.0e+00, v22;
	v18 =	vld [tilespmem:s3+$0x0]  }
0xaf: {  	v30 =	vsub.f32 v24, v25;
	v31 =	vld [tilespmem:s3+$0x2400];
	vm3 =	vgt.f32 v32, v12;
	v14 =	vmul.f32 v14, v15  }
0xb0: {  	v19 =	vadd.s32 $0xFFFFFF81, v19;
	v25 =	vsub.f32 v28, v27;
	v22 =	vmul.f32 v22, v5;
	v5 =	vmovc v6;
	v6 =	vmovc v7  }
0xb1: {  	v23 =	vmax.f32 v23, $0.0e+00;
	v30 =	vmax.f32 v30, $0.0e+00;
	v24 =	vpop (erf);
	v14 =	vadd.f32 $6.666666860e-01, v14  }
0xb2: {  	v28 =	vmul.f32 v23, v30;
	v23 =	vmul.f32 v25, v29;
	v27 =	vsub.f32 v16, v17;
	[tilespmem:s7+$0x1800] =	vst v22;
	s7 =	smov.u32 s8;
	s8 =	smov.u32 s9;
	s9 =	smov.u32 s10  }
0xb3: {  	v7 =	vmovc v8;
	v8 =	vmovc v10;
	v29 =	vadd.f32 $-1.000000000e+00, v26;
	v30 =	vmul.f32 v24, v21;
	s10 =	smov.u32 s11;
	s11 =	smov.u32 s3;
	v22 =	vsub.f32 v34, v18  }
0xb4: {  	v26 =	vcvt.s32.f32 v19;
	v25 =	vadd.f32 v23, v20;
	v14 =	vmul.f32 v14, v15;
	v10 =	vpop (erf)  }
0xb5: {  	v24 =	vmovc v34;
	v23 =	vadd.f32 $9.999999970e-07, v30;
	v20 =	vmul.f32 v27, v22;
	v19 =	vmul.f32 v10, v29;
	v10 =	vmovc v32  }
0xb6: {  	s0 =	sadd.s32 $0x10, s0;
	v21 =	vmovc v28;
	v32 =	vsub.f32 v25, v28;
	v25 =	vadd.f32 $2.000000000e+00, v14;
	v22 =	vmul.f32 $6.931471820e-01, v13;
	v13 =	vmovc v26  }
.Ltmp1:
0xb7: {  	v14 =	vor.u32 s0, v3;
	v26 =	vand.u32 $0x7FFFFF, v23;
	[tilespmem:s11+$0x1000] =	vst v20;
	v15 =	vmul.f32 v19, v19;
	(pc) =	sbr.rel @p0 .LBB2_3-.Ltmp1, $4  }
0xb8: {  	vm4 =	veq.f32 v10, v12;
	vm5 =	vgt.s32 v14, v9;
	v26 =	vor.u32 $0x3F800000, v26;
	v27 =	vld.idx.msk [tilespmem:v31+s24+$0x0], $0xffff  }
0xb9: {  	vm4 =	vmand vm5, vm4;
	v33 =	vmul.f32 $5.000000000e-01, v26;
	v28 =	vld.idx.msk [tilespmem:v31+s26+$0x0], $0xffff;
	v29 =	vmul.f32 $2.222222240e-01, v15  }
0xba: {  	v32 =	vmax.f32 v32, $9.999999970e-07;
	vm3 =	vmor vm3, vm4;
	vm4 =	vgt.f32 v26, $1.414213540e+00;
	v30 =	vld.idx.msk [tilespmem:v31+s25+$0x0], $0xffff  }
0xbb: {  	v12 =	vsel vm3, v10, v12;
	v26 =	vsel vm4, v33, v26;
	v31 =	vld.idx.msk [tilespmem:v31+s23+$0x0], $0xffff;
	(erf) = vrcp.f32 v32;
	[tilespmem:s7+$0x2000] =	vst v1  }
0xbc: {  	_ =	sdelay $0x2  }
0xbd: {  	v17 =	vmax.f32 v27, v17;
	v16 =	vmin.f32 v28, v16;
	v32 =	vsub.f32 v28, v27  }
0xbe: {  	v24 =	vmin.f32 v30, v24;
	v18 =	vmax.f32 v31, v18;
	v63 =	vsub.f32 v30, v31  }
0xbf: {  	v16 =	vsub.f32 v16, v17;
	v33 =	vsub.f32 v24, v18  }
0xc0: {  	v34 =	vmul.f32 v32, v63  }
0xc1: {  	v16 =	vmax.f32 v16, $0.0e+00;
	v17 =	vmax.f32 v33, $0.0e+00  }
0xc2: {  	v16 =	vmul.f32 v16, v17;
	v35 =	vadd.f32 v34, v20;
	_ =	sdelay $0x1  }
0xc3: {  	v36 =	vadd.f32 $1.000000000e+00, v26;
	v17 =	vsub.f32 v35, v16;
	_ =	sdelay $0x1  }
0xc4: {  	(erf) = vrcp.f32 v36;
	v17 =	vmax.f32 v17, $9.999999970e-07  }
0xc5: {  	(erf) = vrcp.f32 v17;
	_ =	sdelay $0x6  }
0xc6: {  	v37 =	vpop (erf)  }
0xc7: {  	v18 =	vpop (erf)  }
0xc8: {  	v17 =	vmul.f32 v37, v21;
	v38 =	vpop (erf)  }
0xc9: {  	v16 =	vmul.f32 v38, v16  }
0xca: {  	v17 =	vadd.f32 $9.999999970e-07, v17  }
0xcb: {  	v16 =	vadd.f32 $9.999999970e-07, v16  }
0xcc: {  	v39 =	vand.u32 $0x7FFFFF, v17  }
0xcd: {  	v20 =	vor.u32 $0x3F800000, v39;
	v41 =	vand.u32 $0x7FFFFF, v16  }
0xce: {  	v40 =	vmul.f32 $5.000000000e-01, v20;
	v42 =	vor.u32 $0x3F800000, v41  }
0xcf: {  	vm6 =	vgt.f32 v20, $1.414213540e+00;
	v44 =	vmul.f32 $5.000000000e-01, v42  }
0xd0: {  	v20 =	vsel vm6, v40, v20;
	vm5 =	vgt.f32 v42, $1.414213540e+00  }
0xd1: {  	v43 =	vadd.f32 $1.000000000e+00, v20;
	v21 =	vsel vm5, v44, v42  }
0xd2: {  	v45 =	vadd.f32 $1.000000000e+00, v21  }
0xd3: {  	(erf) = vrcp.f32 v43  }
0xd4: {  	v47 =	vadd.f32 $2.857142980e-01, v29;
	(erf) = vrcp.f32 v45;
	_ =	sdelay $0x1  }
0xd5: {  	v24 =	vmul.f32 v47, v15  }
0xd6: {  	v46 =	vadd.f32 $-1.000000000e+00, v26  }
0xd7: {  	v24 =	vadd.f32 $4.000000060e-01, v24  }
0xd8: {  	v11 =	vmul.f32 v25, v11;
	v18 =	vmul.f32 v18, v46  }
0xd9: {  	v24 =	vmul.f32 v24, v15  }
0xda: {  	v11 =	vadd.f32 v11, v22;
	v26 =	vmul.f32 v18, v18;
	v20 =	vadd.f32 $-1.000000000e+00, v20  }
0xdb: {  	v24 =	vadd.f32 $6.666666860e-01, v24;
	v21 =	vadd.f32 $-1.000000000e+00, v21;
	v49 =	vpop (erf)  }
0xdc: {  	v11 =	vsub.f32 $0.0e+00, v11;
	v48 =	vmul.f32 $2.222222240e-01, v26;
	v20 =	vmul.f32 v49, v20;
	v52 =	vpop (erf)  }
0xdd: {  	(xrf0) =	vmax.scan.msk.f32 $0xffff, v12;
	v15 =	vmul.f32 v24, v15;
	v21 =	vmul.f32 v52, v21  }
0xde: {  	v5 =	vmul.f32 v11, v5;
	v27 =	vadd.f32 $2.857142980e-01, v48;
	v51 =	vmul.f32 v20, v20  }
0xdf: {  	v11 =	vmul.f32 $6.931471820e-01, v13;
	v15 =	vadd.f32 $2.000000000e+00, v15;
	v55 =	vmul.f32 v21, v21  }
0xe0: {  	v50 =	vsel vm4, $0x1, v2;
	v27 =	vmul.f32 v27, v26;
	v54 =	vmul.f32 $2.222222240e-01, v51  }
0xe1: {  	v23 =	vshra.s32 v23, $0x17;
	v15 =	vmul.f32 v15, v19;
	v58 =	vmul.f32 $2.222222240e-01, v55  }
0xe2: {  	v23 =	vadd.s32 v50, v23;
	v53 =	vadd.f32 $4.000000060e-01, v27;
	v57 =	vadd.f32 $2.857142980e-01, v54  }
0xe3: {  	v23 =	vadd.s32 $0xFFFFFF81, v23;
	v15 =	vadd.f32 v15, v11;
	v11, _, _ =	vpop (xrf0);
	v13 =	vadd.f32 $2.857142980e-01, v58  }
0xe4: {  	(v2sf) =	vpush v11, $0xF;
	v56 =	vmul.f32 v53, v26;
	v25 =	vmul.f32 v57, v51  }
0xe5: {  	v23 =	vcvt.s32.f32 v23;
	v13 =	vmul.f32 v13, v55  }
0xe6: {  	v24 =	vadd.f32 $6.666666860e-01, v56;
	v60 =	vadd.f32 $4.000000060e-01, v25  }
0xe7: {  	v23 =	vmul.f32 $6.931471820e-01, v23;
	v17 =	vshra.s32 v17, $0x17;
	v13 =	vadd.f32 $4.000000060e-01, v13  }
0xe8: {  	v61 =	vsel vm6, $0x1, v2;
	v59 =	vmul.f32 v24, v26;
	v24 =	vmul.f32 v60, v51  }
0xe9: {  	v15 =	vsub.f32 $0.0e+00, v15;
	v17 =	vadd.s32 v61, v17;
	v13 =	vmul.f32 v13, v55  }
0xea: {  	v17 =	vadd.s32 $0xFFFFFF81, v17;
	v19 =	vadd.f32 $2.000000000e+00, v59;
	v24 =	vadd.f32 $6.666666860e-01, v24  }
0xeb: {  	v6 =	vmul.f32 v15, v6;
	v16 =	vshra.s32 v16, $0x17;
	v13 =	vadd.f32 $6.666666860e-01, v13  }
0xec: {  	[tilespmem:s7+$0x1C00] =	vst v1;
	v62 =	vsel vm5, $0x1, v2;
	v18 =	vmul.f32 v19, v18;
	v15 =	vmul.f32 v24, v51  }
0xed: {  	[tilespmem:s7+$0x1800] =	vst v5;
	v17 =	vcvt.s32.f32 v17;
	v5 =	vadd.s32 v62, v16;
	v13 =	vmul.f32 v13, v55  }
0xee: {  	[tilespmem:s8+$0x2000] =	vst v1;
	v5 =	vadd.s32 $0xFFFFFF81, v5;
	v18 =	vadd.f32 v18, v23;
	v15 =	vadd.f32 $2.000000000e+00, v15  }
0xef: {  	[tilespmem:s8+$0x1C00] =	vst v1;
	v5 =	vcvt.s32.f32 v5;
	v13 =	vadd.f32 $2.000000000e+00, v13  }
0xf0: {  	[tilespmem:s9+$0x2000] =	vst v1;
	v17 =	vmul.f32 $6.931471820e-01, v17;
	v63 =	vsub.f32 $0.0e+00, v18;
	v15 =	vmul.f32 v15, v20  }
0xf1: {  	[tilespmem:s9+$0x1C00] =	vst v1;
	v5 =	vmul.f32 $6.931471820e-01, v5;
	v13 =	vmul.f32 v13, v21  }
0xf2: {  	[tilespmem:s8+$0x1800] =	vst v6;
	v6 =	vmul.f32 v63, v7;
	v7 =	vadd.f32 v15, v17  }
0xf3: {  	[tilespmem:s10+$0x2000] =	vst v1;
	s0 =	spop (v2sf);
	v5 =	vadd.f32 v13, v5  }
0xf4: {  	[tilespmem:s10+$0x1C00] =	vst v1;
	p0 =	sge.f32 s0, $0.0e+00;
	v7 =	vsub.f32 $0.0e+00, v7  }
.Ltmp2:
0xf5: {  	[tilespmem:s11+$0x2000] =	vst v1;
	v5 =	vsub.f32 $0.0e+00, v5;
	(pc) =	sbr.rel @!p0 .LBB2_16-.Ltmp2, $4  }
0xf6: {  	[tilespmem:s9+$0x1800] =	vst v6;
	v6 =	vmul.f32 v7, v8  }
0xf7: {  	[tilespmem:s11+$0x1C00] =	vst v1;
	v5 =	vmul.f32 v5, v10  }
0xf8: {  	v8 =	vsel vm3, v14, v9;
	v7 =	vimm.f32 $9.999999970e-07;
	[tilespmem:s10+$0x1800] =	vst v6  }
0xf9: {  	v9 =	vimm.f32 $9.999999970e-07;
	v6 =	vimm.f32 $0.0e+00;
	[tilespmem:s11+$0x1800] =	vst v5;
	v5 =	vimm.f32 $0.0e+00  }
0xfa: {  	v5 =	vbroadcast v11, $0xF;
	_ =	sdelay $0x1  }
0xfb: {  	vm3 =	veq.f32 v12, v5;
	v5 =	vxor.u32 $0x80000000, v8  }
0xfc: {  	v5 =	vnsel vm3, $0x1, v5  }
0xfd: {  	(xrf0) =	vmax.scan.msk.u32 $0xffff, v5;
	_ =	sdelay $0x5  }
0xfe: {  	v5, _, _ =	vpop (xrf0)  }
0xff: {  	(v2sf) =	vpush v5, $0xF;
	_ =	sdelay $0xc  }
.Ltmp3:
0x100: {  	_ = 	snop;
	(pc) =	sbr.rel .LBB2_6-.Ltmp3, $4  }
0x101: {  	_ = 	snop  }
0x102: {  	s0 =	spop (v2sf)  }
0x103: {  	v7 =	vimm.s32 $0x0;
	s0 =	sxor.u32 $0x80000000, s0  }
0x104: {  	s7 =	simm.s32 $0x3F0;
	v8 =	vimm.f32 $0.0e+00;
	v5 =	vimm.f32 $0.0e+00;
	v15 =	vmov s0  }
.LBB2_12:
0x105: {  	_ =	sdelay $0x4  }
0x106: {  	[tilespmem:v14+s21+$0x0] =	vst.idx.msk vm4, v11;
	v13 =	vmov v12  }
.LBB2_13:
0x107: {  	s0 =	sand.u32 $0xFFFFFFF0, s9;
	(xrf0) =	vadd.scan.msk.s32 $0xffff, v13  }
0x108: {  	v11 =	vld [tilespmem:s0+$0x1400]  }
0x109: {  	s1 =	sand.u32 $0xF, s9  }
0x10a: {  	v12 =	vmov s1;
	_ =	sdelay $0x1  }
0x10b: {  	vm4 =	vgt.u32 v12, v3  }
0x10c: {  	v11 =	vnsel vm4, $0xBF800000, v11;
	v12, _, _ =	vpop (xrf0)  }
0x10d: {  	[tilespmem:s0+$0x1400] =	vst v11;
	v15 =	vbroadcast v12, $0xF  }
.LBB2_14:
0x10e: {  	v9 =	vbroadcast v9, $0xF;
	p0 =	sge.f32 s6, $0.0e+00  }
.Ltmp4:
0x10f: {  	v11 =	vmpcnt.ones.xlane vm3;
	(pc) =	sbr.rel @!p0 .LBB2_15-.Ltmp4, $4  }
0x110: {  	v9 =	vmul.f32 v10, v9  }
0x111: {  	vm3 =	vgt.s32 v11, $0x0  }
0x112: {  	p1 =	slt.s32 s11, s10;
	v10 =	vsel vm3, $0x3F800000, v1;
	v9 =	vnsel vm3, $0x0, v9  }
0x113: {  	s7 =	smov.u32 @p1 s9;
	v8 =	vadd.f32 v10, v8;
	v5 =	vadd.f32 v9, v5  }
.LBB2_6:
0x114: {  	_ =	sdelay $0x3  }
0x115: {  	v9 =	vld.idx.msk [tilespmem:v15+s22+$0x0], $0xffff;
	_ =	sdelay $0x3  }
0x116: {  	v11 =	vld.idx.msk [tilespmem:v15+s2+$0x0], $0xffff  }
0x117: {  	v10 =	vld.idx.msk [tilespmem:v15+s18+$0x0], $0xffff  }
0x118: {  	v14 =	vld.idx.msk [tilespmem:v15+s19+$0x0], $0xffff  }
0x119: {  	v13 =	vld.idx.msk [tilespmem:v15+s20+$0x0], $0xffff;
	s1 =	simm.s32 $0x2A80  }
0x11a: {  	s4 =	simm.s32 $0x2B80;
	v16 =	vld.idx.msk [tilespmem:v9+s1+$0x0], $0xffff  }
0x11b: {  	s6 =	simm.s32 $0x2C00;
	v17 =	vld.idx.msk [tilespmem:v9+s4+$0x0], $0xffff  }
0x11c: {  	s3 =	simm.s32 $0x2B00;
	v18 =	vld.idx.msk [tilespmem:v9+s6+$0x0], $0xffff  }
0x11d: {  	v19 =	vld.idx.msk [tilespmem:v9+s3+$0x0], $0xffff;
	_ =	sdelay $0x3  }
0x11e: {  	v12 =	vld.idx.msk [tilespmem:v15+s29+$0x0], $0xffff;
	v20 =	vmin.f32 v17, v14;
	v21 =	vmax.f32 v16, v11;
	v22 =	vmin.f32 v18, v13  }
0x11f: {  	v23 =	vmax.f32 v19, v10;
	v16 =	vsub.f32 v17, v16;
	v56 =	vsub.f32 v18, v19  }
0x120: {  	v57 =	vsub.f32 v20, v21;
	v58 =	vsub.f32 v22, v23  }
0x121: {  	v16 =	vmul.f32 v56, v16  }
0x122: {  	v59 =	vmax.f32 v57, $0.0e+00;
	v60 =	vmax.f32 v58, $0.0e+00  }
0x123: {  	v17 =	vmul.f32 v60, v59;
	v16 =	vadd.f32 v16, v12;
	_ =	sdelay $0x1  }
0x124: {  	v16 =	vsub.f32 v16, v17;
	_ =	sdelay $0x1  }
0x125: {  	v16 =	vmax.f32 v16, $9.999999970e-07  }
0x126: {  	(erf) = vrcp.f32 v16;
	_ =	sdelay $0x2  }
0x127: {  	v61 =	vld.idx.msk [tilespmem:v9+s30+$0x0], $0xffff;
	_ =	sdelay $0x4  }
0x128: {  	vm3 =	vgt.f32 v61, $0.0e+00  }
0x129: {  	v62 =	vld.idx.msk [tilespmem:v15+s21+$0x0], $0xffff;
	vm4 =	vmneg vm3;
	v63 =	vpop (erf)  }
0x12a: {  	vm4 =	vmand vm4, vm1;
	v17 =	vmul.f32 v63, v17;
	_ =	sdelay $0x1  }
0x12b: {  	s0 =	simm.s32 $0x1C00;
	s31 =	sadd.s32 $0xF, s7;
	v17 =	vmax.f32 v17, $9.999999970e-07  }
0x12c: {  	s8 =	sshra.s32 s31, $0x4;
	[tilespmem:v7+s0+$0x0] =	vst.idx.msk $0x1, v17;
	s0 =	sshrl.u32 s31, $0x1F  }
0x12d: {  	s28 =	simm.s32 $0x2000;
	v16 =	vnsel vm3, $0x0, v62;
	s0 =	sadd.s32 s0, s8  }
0x12e: {  	[tilespmem:v7+s28+$0x0] =	vst.idx.msk $0x1, v16;
	s9 =	sand.u32 $0xFFFFFFFE, s0  }
0x12f: {  	[tilespmem:v9+s30+$0x0] =	vst.idx.msk vm4, v4;
	p0 =	slt.s32 s9, $0x1  }
.Ltmp5:
0x130: {  	[tilespmem:v9+s1+$0x0] =	vst.idx.msk vm4, v11;
	(pc) =	sbr.rel @p0 .LBB2_7-.Ltmp5, $4  }
0x131: {  	[tilespmem:v9+s3+$0x0] =	vst.idx.msk vm4, v10  }
0x132: {  	[tilespmem:v9+s4+$0x0] =	vst.idx.msk vm4, v14  }
0x133: {  	[tilespmem:v9+s6+$0x0] =	vst.idx.msk vm4, v13  }
0x134: {  	[tilespmem:v15+s21+$0x0] =	vst.idx.msk $0x1, v0  }
0x135: {  	s13 =	simm.s32 $0x10  }
0x136: {  	s3 =	simm.s32 $0x410;
	v19 =	vld [tilespmem:s13+$0x0]  }
0x137: {  	s4 =	simm.s32 $0x810;
	v20 =	vld [tilespmem:s3+$0x0]  }
0x138: {  	s6 =	simm.s32 $0xC10;
	v21 =	vld [tilespmem:s4+$0x0]  }
0x139: {  	v22 =	vld [tilespmem:s6+$0x0]  }
0x13a: {  	v23 =	vld [tilespmem:s13+$0xFFFFFFF0]  }
0x13b: {  	v24 =	vld [tilespmem:s4+$0xFFFFFFF0]  }
0x13c: {  	v25 =	vld [tilespmem:s6+$0xFFFFFFF0]  }
0x13d: {  	v26 =	vld [tilespmem:s3+$0xFFFFFFF0]  }
0x13e: {  	s1 =	simm.s32 $0x1010  }
0x13f: {  	v27 =	vld [tilespmem:s1+$0x0];
	v21 =	vmin.f32 v21, v14  }
0x140: {  	v19 =	vmax.f32 v19, v11;
	v22 =	vmin.f32 v22, v13;
	v20 =	vmax.f32 v20, v10  }
0x141: {  	v28 =	vld [tilespmem:s1+$0xFFFFFFF0];
	v24 =	vmin.f32 v24, v14;
	v23 =	vmax.f32 v23, v11;
	v25 =	vmin.f32 v25, v13  }
0x142: {  	v26 =	vmax.f32 v26, v10;
	v19 =	vsub.f32 v21, v19;
	v20 =	vsub.f32 v22, v20  }
0x143: {  	v21 =	vsub.f32 v24, v23;
	v22 =	vsub.f32 v25, v26  }
0x144: {  	v23 =	vadd.f32 v27, v12;
	v19 =	vmax.f32 v19, $0.0e+00;
	v20 =	vmax.f32 v20, $0.0e+00  }
0x145: {  	p1 =	sgt.s32 s9, $0x2;
	v21 =	vmax.f32 v21, $0.0e+00;
	v22 =	vmax.f32 v22, $0.0e+00;
	v32 =	vmul.f32 v20, v19  }
.Ltmp6:
0x146: {  	v33 =	vmul.f32 v22, v21;
	v19 =	vadd.f32 v28, v12;
	(pc) =	sbr.rel @!p1 .LBB2_21-.Ltmp6, $4  }
0x147: {  	v20 =	vsub.f32 v23, v32  }
0x148: {  	v15 =	vimm.f32 $0.0e+00;
	s0 =	simm.s32 $0x2410;
	v21 =	vsub.f32 v19, v33  }
0x149: {  	s12 =	simm.s32 $0x0;
	v18 =	vimm.f32 $-2.000000000e+00;
	v17 =	vimm.s32 $0xFFFFFFFF;
	s11 =	simm.s32 $0x1810;
	v19 =	vld [tilespmem:s0+$0x0];
	v20 =	vmax.f32 v20, $9.999999970e-07  }
0x14a: {  	v16 =	vimm.s32 $0x0;
	s10 =	simm.s32 $0x1410;
	p0 =	por $0x0, $0x0;
	v24 =	vmax.f32 v21, $9.999999970e-07;
	(erf) = vrcp.f32 v20;
	v20 =	vld [tilespmem:s0+$0xFFFFFFF0];
	s0 =	simm.s32 $0x30  }
0x14b: {  	v21 =	vld [tilespmem:s0+$0x0]  }
0x14c: {  	s13 =	simm.s32 $0x430;
	v26 =	vld [tilespmem:s0+$0xFFFFFFF0]  }
0x14d: {  	s14 =	simm.s32 $0x830;
	v22 =	vld [tilespmem:s13+$0x0]  }
0x14e: {  	s15 =	simm.s32 $0xC30;
	v23 =	vld [tilespmem:s14+$0x0]  }
0x14f: {  	v25 =	vld [tilespmem:s15+$0x0]  }
0x150: {  	v27 =	vld [tilespmem:s14+$0xFFFFFFF0]  }
0x151: {  	v28 =	vld [tilespmem:s15+$0xFFFFFFF0]  }
0x152: {  	v29 =	vld [tilespmem:s13+$0xFFFFFFF0];
	_ =	sdelay $0x1  }
0x153: {  	s16 =	simm.s32 $0x1030;
	(erf) = vrcp.f32 v24;
	v21 =	vmax.f32 v21, v11  }
0x154: {  	v30 =	vld [tilespmem:s16+$0x0];
	v26 =	vmax.f32 v26, v11;
	v23 =	vmin.f32 v23, v14;
	v24 =	vmin.f32 v25, v13  }
0x155: {  	v22 =	vmax.f32 v22, v10;
	v25 =	vld [tilespmem:s16+$0xFFFFFFF0];
	v27 =	vmin.f32 v27, v14;
	v28 =	vmin.f32 v28, v13  }
0x156: {  	v29 =	vmax.f32 v29, v10;
	v21 =	vsub.f32 v23, v21;
	v22 =	vsub.f32 v24, v22  }
0x157: {  	v31 =	vld.idx.msk [tilespmem:v20+s30+$0x0], $0xffff;
	v23 =	vsub.f32 v27, v26;
	v24 =	vsub.f32 v28, v29;
	_ =	sdelay $0x1  }
0x158: {  	vm5 =	vne.s32 v19, v9;
	v26 =	vld [tilespmem:s10+$0x0];
	v23 =	vmax.f32 v23, $0.0e+00;
	v24 =	vmax.f32 v24, $0.0e+00  }
0x159: {  	v27 =	vadd.f32 v30, v12;
	v28 =	vld [tilespmem:s10+$0xFFFFFFF0];
	v30 =	vpop (erf);
	v23 =	vmul.f32 v24, v23;
	v24 =	vadd.f32 v25, v12  }
0x15a: {  	v29 =	vld.idx.msk [tilespmem:v19+s30+$0x0], $0xffff;
	v21 =	vmax.f32 v21, $0.0e+00;
	v22 =	vmax.f32 v22, $0.0e+00;
	v30 =	vmul.f32 v30, v32  }
0x15b: {  	s28 =	simm.s32 $0x10;
	vm4 =	vne.s32 v20, v9;
	vm11 =	vlt.f32 v31, $0.0e+00;
	v22 =	vmul.f32 v22, v21  }
0x15c: {  	v21 =	vor.u32 s28, v3;
	v25 =	vor.u32 s12, v3;
	vm10 =	vgt.f32 v30, $5.000000000e-01  }
0x15d: {  	v30 =	vimm.f32 $0.0e+00;
	v20 =	vsub.f32 v27, v22;
	v19 =	vsub.f32 v24, v23;
	v24 =	vpop (erf)  }
0x15e: {  	vm6 =	vge.f32 v26, $0.0e+00;
	vm7 =	vge.f32 v28, $0.0e+00;
	v27 =	vmul.f32 v24, v33  }
0x15f: {  	vm8 =	vlt.f32 v29, $0.0e+00;
	v24 =	vmax.f32 v19, $9.999999970e-07;
	v19 =	vmax.f32 v20, $9.999999970e-07  }
0x160: {  	p1 =	sgt.s32 s9, $0x4;
	v29 =	vimm.f32 $0.0e+00;
	v20 =	vld [tilespmem:s11+$0x0];
	(erf) = vrcp.f32 v19;
	vm9 =	vgt.f32 v27, $5.000000000e-01  }
.Ltmp7:
0x161: {  	v35 =	vld [tilespmem:s11+$0xFFFFFFF0];
	v27 =	vimm.f32 $-2.000000000e+00;
	vm7 =	vmand vm7, vm9;
	vm9 =	vmand vm6, vm10;
	(pc) =	sbr.rel @!p1 .LBB2_23-.Ltmp7, $4  }
0x162: {  	vm6 =	vmand vm4, vm7;
	vm5 =	vmand vm5, vm9;
	v31 =	vsel vm9, $0xBF800000, v26  }
0x163: {  	s31 =	simm.s32 $0x2430;
	v34 =	vsel vm7, $0xBF800000, v28;
	v28 =	vimm.s32 $0xFFFFFFFF;
	vm4 =	vmmov vm2  }
0x164: {  	s0 =	simm.s32 $0x4;
	s1 =	simm.s32 $0x50;
	p0 =	por $0x1, $0x1;
	v19 =	vld [tilespmem:s31+$0x0];
	v26 =	vimm.s32 $0x0;
	vm9 =	vmand vm8, vm5;
	vm10 =	vge.f32 v31, $0.0e+00;
	[tilespmem:s10+$0x0] =	vst v31  }
0x165: {  	s4 =	simm.s32 $0x1410;
	s3 =	simm.s32 $0x0;
	s6 =	simm.s32 $0x1810;
	vm8 =	vmand vm11, vm6;
	vm7 =	vge.f32 v34, $0.0e+00;
	[tilespmem:s10+$0xFFFFFFF0] =	vst v34;
	v36 =	vnsel vm9, $0x0, v20;
	v20 =	vld [tilespmem:s31+$0xFFFFFFF0]  }
.LBB2_24:
0x166: {  	v32 =	vld [tilespmem:s1+$0x0];
	s13 =	sadd.s32 $0x20, s13;
	v33 =	vnsel vm8, $0x0, v35;
	v35 =	vsel vm9, $0x3F800000, v1;
	v37 =	vsel vm10, $0x1, v2  }
0x167: {  	s14 =	sadd.s32 $0x20, s14;
	v39 =	vsel vm8, $0x3F800000, v1;
	vm8 =	veq.f32 v34, v27;
	vm9 =	vgt.s32 v25, v28;
	v38 =	vld [tilespmem:s13+$0x0]  }
0x168: {  	s15 =	sadd.s32 $0x20, s15;
	vm10 =	vgt.f32 v34, v27;
	v29 =	vadd.f32 v33, v29;
	vm8 =	vmand vm9, vm8;
	v40 =	vld [tilespmem:s14+$0x0]  }
0x169: {  	v30 =	vadd.f32 v39, v30;
	v39 =	vsel vm7, $0x1, v2;
	vm7 =	vmor vm10, vm8;
	v33 =	vld [tilespmem:s15+$0x0]  }
0x16a: {  	v27 =	vsel vm7, v34, v27;
	v25 =	vsel vm7, v25, v28;
	v29 =	vadd.f32 v36, v29;
	v41 =	vld [tilespmem:s1+$0xFFFFFFF0]  }
0x16b: {  	v30 =	vadd.f32 v35, v30;
	vm7 =	veq.f32 v31, v27;
	vm8 =	vgt.s32 v21, v25;
	v34 =	vld [tilespmem:s14+$0xFFFFFFF0];
	v36 =	vpop (erf)  }
0x16c: {  	vm4 =	vmor vm4, vm6;
	vm6 =	vgt.f32 v31, v27;
	vm7 =	vmand vm8, vm7;
	v35 =	vld [tilespmem:s15+$0xFFFFFFF0]  }
0x16d: {  	vm4 =	vmor vm4, vm5;
	v26 =	vadd.s32 v39, v26;
	vm5 =	vmor vm6, vm7;
	v42 =	vld [tilespmem:s13+$0xFFFFFFF0]  }
0x16e: {  	s16 =	sadd.s32 $0x20, s16;
	v26 =	vadd.s32 v37, v26;
	v27 =	vsel vm5, v31, v27;
	v28 =	vsel vm5, v21, v25  }
0x16f: {  	v25 =	vmin.f32 v40, v14;
	v21 =	vld [tilespmem:s16+$0x0];
	(erf) = vrcp.f32 v24  }
0x170: {  	v31 =	vmin.f32 v33, v13;
	v24 =	vmax.f32 v32, v11;
	v32 =	vmax.f32 v38, v10  }
0x171: {  	s4 =	sadd.s32 $0x20, s4;
	v37 =	vmax.f32 v41, v11;
	v34 =	vmin.f32 v34, v14;
	v33 =	vld [tilespmem:s16+$0xFFFFFFF0];
	v35 =	vmin.f32 v35, v13  }
0x172: {  	v24 =	vsub.f32 v25, v24;
	v31 =	vsub.f32 v31, v32;
	v38 =	vmax.f32 v42, v10;
	v32 =	vld [tilespmem:s4+$0x0]  }
0x173: {  	s3 =	sadd.s32 $0x20, s3;
	v34 =	vsub.f32 v34, v37;
	v35 =	vsub.f32 v35, v38;
	v37 =	vld [tilespmem:s4+$0xFFFFFFF0]  }
0x174: {  	v25 =	vor.u32 s3, v3;
	v24 =	vmax.f32 v24, $0.0e+00;
	v38 =	vadd.f32 v21, v12;
	v39 =	vld.idx.msk [tilespmem:v19+s30+$0x0], $0xffff  }
0x175: {  	v31 =	vmax.f32 v31, $0.0e+00;
	v21 =	vmax.f32 v34, $0.0e+00;
	v34 =	vmax.f32 v35, $0.0e+00;
	v40 =	vld.idx.msk [tilespmem:v20+s30+$0x0], $0xffff  }
0x176: {  	s28 =	sadd.s32 $0x10, s3;
	v24 =	vmul.f32 v31, v24;
	v34 =	vmul.f32 v34, v21;
	v33 =	vadd.f32 v33, v12  }
0x177: {  	vm7 =	vne.s32 v19, v9;
	vm5 =	vne.s32 v20, v9;
	v21 =	vor.u32 s28, v3  }
0x178: {  	v20 =	vsub.f32 v38, v24;
	vm6 =	vge.f32 v32, $0.0e+00;
	v19 =	vsub.f32 v33, v34;
	v31 =	vpop (erf)  }
0x179: {  	s6 =	sadd.s32 $0x20, s6;
	s0 =	sadd.s32 $0x2, s0;
	vm8 =	vge.f32 v37, $0.0e+00;
	v33 =	vmul.f32 v36, v22;
	v22 =	vmovc v24;
	v31 =	vmul.f32 v31, v23;
	v23 =	vmovc v34  }
0x17a: {  	p1 =	slt.s32 s0, s9;
	vm9 =	vlt.f32 v39, $0.0e+00;
	v24 =	vmax.f32 v19, $9.999999970e-07;
	v19 =	vmax.f32 v20, $9.999999970e-07;
	v36 =	vld [tilespmem:s6+$0x0]  }
.Ltmp8:
0x17b: {  	vm11 =	vlt.f32 v40, $0.0e+00;
	vm12 =	vgt.f32 v33, $5.000000000e-01;
	v35 =	vld [tilespmem:s6+$0xFFFFFFF0];
	vm10 =	vgt.f32 v31, $5.000000000e-01;
	(pc) =	sbr.rel @p1 .LBB2_24-.Ltmp8, $4  }
0x17c: {  	(erf) = vrcp.f32 v19;
	vm8 =	vmand vm8, vm10;
	vm10 =	vmand vm6, vm12  }
0x17d: {  	s31 =	sadd.s32 $0x20, s31;
	vm6 =	vmand vm5, vm8;
	vm5 =	vmand vm7, vm10;
	v31 =	vsel vm10, $0xBF800000, v32  }
0x17e: {  	v34 =	vsel vm8, $0xBF800000, v37;
	v19 =	vld [tilespmem:s31+$0x0];
	vm9 =	vmand vm9, vm5;
	[tilespmem:s4+$0x0] =	vst v31;
	vm10 =	vge.f32 v31, $0.0e+00  }
0x17f: {  	s1 =	sadd.s32 $0x20, s1;
	vm8 =	vmand vm11, vm6;
	vm7 =	vge.f32 v34, $0.0e+00;
	v20 =	vld [tilespmem:s31+$0xFFFFFFF0];
	[tilespmem:s4+$0xFFFFFFF0] =	vst v34;
	v36 =	vnsel vm9, $0x0, v36  }
0x180: {  	v33 =	vmov v23;
	v32 =	vmov v22  }
.LBB2_26:
0x181: {  	v22 =	vnsel @p0 vm8, $0x0, v35  }
0x182: {  	v23 =	vsel @p0 vm9, $0x3F800000, v1;
	(erf) = vrcp.f32 v24;
	v24 =	vsel @p0 vm10, $0x1, v2  }
0x183: {  	vm9 =	veq.f32 @p0 v34, v27;
	vm10 =	vgt.s32 @p0 v25, v28;
	v35 =	vsel @p0 vm8, $0x3F800000, v1  }
0x184: {  	vm8 =	vgt.f32 @p0 v34, v27;
	vm4 =	vmor @p0 vm4, vm6;
	vm9 =	vmand @p0 vm10, vm9  }
0x185: {  	s0 =	sadd.s32 @p0 $0x20, s4;
	v22 =	vadd.f32 @p0 v22, v29;
	v29 =	vadd.f32 @p0 v35, v30;
	v30 =	vsel @p0 vm7, $0x1, v2  }
0x186: {  	s10 =	smov.u32 @p0 s0;
	s0 =	sadd.s32 @p0 $0x20, s3;
	vm4 =	vmor @p0 vm4, vm5;
	vm8 =	vmor @p0 vm8, vm9;
	v26 =	vadd.s32 @p0 v30, v26  }
0x187: {  	v48 =	vld [tilespmem:s10+$0x0];
	s12 =	smov.u32 @p0 s0;
	v27 =	vsel @p0 vm8, v34, v27;
	v25 =	vsel @p0 vm8, v25, v28;
	v22 =	vadd.f32 @p0 v36, v22  }
0x188: {  	v49 =	vld [tilespmem:s10+$0xFFFFFFF0];
	v23 =	vadd.f32 @p0 v23, v29;
	v24 =	vadd.s32 @p0 v24, v26;
	v53 =	vor.u32 s12, v3  }
0x189: {  	v50 =	vld.idx.msk [tilespmem:v19+s30+$0x0], $0xffff;
	vm5 =	vne.s32 v20, v9;
	s1 =	sadd.s32 $0x10, s12;
	vm7 =	veq.f32 @p0 v31, v27;
	vm8 =	vgt.s32 @p0 v21, v25  }
0x18a: {  	v52 =	vld.idx.msk [tilespmem:v20+s30+$0x0], $0xffff;
	vm9 =	vgt.f32 @p0 v31, v27;
	v54 =	vor.u32 s1, v3;
	vm7 =	vmand @p0 vm8, vm7  }
0x18b: {  	v51 =	vpop (erf);
	v59 =	vpsel p0, v24, v16;
	v58 =	vpsel p0, v22, v15;
	vm6 =	vmor @p0 vm9, vm7  }
0x18c: {  	v15 =	vpsel p0, v23, v15;
	vm7 =	vne.s32 v19, v9;
	v26 =	vsel @p0 vm6, v31, v27;
	v20 =	vpop (erf)  }
0x18d: {  	v21 =	vsel @p0 vm6, v21, v25;
	vm6 =	vge.f32 v48, $0.0e+00;
	v19 =	vmul.f32 v20, v33  }
0x18e: {  	s0 =	sadd.s32 @p0 $0x20, s6;
	vm8 =	vge.f32 v49, $0.0e+00;
	vm9 =	vlt.f32 v50, $0.0e+00;
	v20 =	vmul.f32 v51, v32  }
0x18f: {  	s11 =	smov.u32 @p0 s0;
	vm12 =	vlt.f32 v52, $0.0e+00;
	v18 =	vpsel p0, v26, v18;
	vm10 =	vgt.f32 v19, $5.000000000e-01  }
0x190: {  	v55 =	vld [tilespmem:s11+$0x0];
	v17 =	vpsel p0, v21, v17;
	vm11 =	vgt.f32 v20, $5.000000000e-01;
	vm8 =	vmand vm8, vm10  }
0x191: {  	v19 =	vld [tilespmem:s11+$0xFFFFFFF0];
	vm14 =	vmand vm6, vm11;
	vm11 =	vmmov vm2;
	vm6 =	vmand vm5, vm8  }
0x192: {  	vm5 =	vmand vm7, vm14;
	v20 =	vsel vm14, $0xBF800000, v48;
	v56 =	vsel vm8, $0xBF800000, v49  }
0x193: {  	vm11 =	vmmov @p0 vm4;
	vm7 =	vmand vm9, vm5;
	vm15 =	vge.f32 v20, $0.0e+00  }
0x194: {  	vm12 =	vmand vm12, vm6;
	vm13 =	vge.f32 v56, $0.0e+00;
	vm4 =	veq.f32 v56, v18  }
0x195: {  	vm14 =	vgt.f32 v56, v18;
	vm6 =	vmor vm11, vm6;
	v57 =	vnsel vm7, $0x0, v55  }
0x196: {  	v16 =	vnsel vm12, $0x0, v19;
	v19 =	vsel vm7, $0x3F800000, v1;
	vm7 =	vgt.s32 v53, v17  }
0x197: {  	v60 =	vsel vm15, $0x1, v2;
	v61 =	vsel vm12, $0x3F800000, v1;
	vm4 =	vmand vm7, vm4  }
0x198: {  	v63 =	vsel vm13, $0x1, v2;
	v16 =	vadd.f32 v16, v58;
	vm4 =	vmor vm14, vm4  }
.Ltmp9:
0x199: {  	v62 =	vadd.f32 v61, v15;
	v18 =	vsel vm4, v56, v18;
	v17 =	vsel vm4, v53, v17;
	(pc) =	sbr.rel .LBB2_8-.Ltmp9, $4  }
0x19a: {  	v15 =	vadd.f32 v57, v16;
	vm4 =	veq.f32 v20, v18;
	vm7 =	vgt.s32 v54, v17  }
0x19b: {  	v16 =	vadd.f32 v19, v62;
	vm15 =	vgt.f32 v20, v18;
	vm7 =	vmand vm7, vm4  }
0x19c: {  	[tilespmem:s10+$0x0] =	vst v20;
	v19 =	vadd.s32 v63, v59;
	vm4 =	vmor vm6, vm5;
	vm5 =	vmor vm15, vm7  }
0x19d: {  	[tilespmem:s10+$0xFFFFFFF0] =	vst v56;
	v19 =	vadd.s32 v60, v19;
	v18 =	vsel vm5, v20, v18;
	v17 =	vsel vm5, v54, v17  }
.LBB2_7:
0x19e: {  	v17 =	vimm.s32 $0xFFFFFFFF;
	v18 =	vimm.f32 $-2.000000000e+00;
	v15 =	vimm.f32 $0.0e+00  }
0x19f: {  	v16 =	vimm.f32 $0.0e+00;
	vm4 =	vmmov vm2;
	v19 =	vimm.s32 $0x0  }
.LBB2_8:
0x1a0: {  	s0 =	ssub.s32 s8, s9  }
0x1a1: {  	p0 =	slt.s32 s0, $0x1  }
0x1a2: {  	s0 =	sshll.u32 @!p0 s9, $0x4  }
0x1a3: {  	v20 =	vld @!p0 [tilespmem:s0+$0x0]  }
0x1a4: {  	v21 =	vld @!p0 [tilespmem:s0+$0x400]  }
0x1a5: {  	v22 =	vld @!p0 [tilespmem:s0+$0x800]  }
0x1a6: {  	v23 =	vld @!p0 [tilespmem:s0+$0xC00];
	_ =	sdelay $0x3  }
0x1a7: {  	v24 =	vld @!p0 [tilespmem:s0+$0x1000];
	v14 =	vmin.f32 @!p0 v22, v14  }
0x1a8: {  	v11 =	vmax.f32 @!p0 v20, v11;
	v13 =	vmin.f32 @!p0 v23, v13;
	v10 =	vmax.f32 @!p0 v21, v10  }
0x1a9: {  	v11 =	vsub.f32 @!p0 v14, v11;
	v10 =	vsub.f32 @!p0 v13, v10;
	_ =	sdelay $0x1  }
0x1aa: {  	v11 =	vmax.f32 @!p0 v11, $0.0e+00;
	v10 =	vmax.f32 @!p0 v10, $0.0e+00  }
0x1ab: {  	v10 =	vmul.f32 @!p0 v10, v11;
	v11 =	vadd.f32 @!p0 v24, v12;
	_ =	sdelay $0x1  }
0x1ac: {  	v11 =	vsub.f32 @!p0 v11, v10;
	_ =	sdelay $0x1  }
0x1ad: {  	v11 =	vmax.f32 @!p0 v11, $9.999999970e-07  }
0x1ae: {  	(erf) = vrcp.f32 @!p0 v11;
	_ =	sdelay $0x6  }
0x1af: {  	v12 =	vld @!p0 [tilespmem:s0+$0x1400];
	_ =	sdelay $0x1  }
0x1b0: {  	v11 =	vld @!p0 [tilespmem:s0+$0x2400];
	v13 =	vpop @!p0 (erf)  }
0x1b1: {  	v10 =	vmul.f32 @!p0 v13, v10;
	_ =	sdelay $0x1  }
0x1b2: {  	vm5 =	vge.f32 @!p0 v12, $0.0e+00;
	vm6 =	vgt.f32 @!p0 v10, $5.000000000e-01  }
0x1b3: {  	v14 =	vlaneseq.u32 @!p0;
	v10 =	vsel vm3, $0x1, v2;
	vm3 =	vmand @!p0 vm5, vm6  }
0x1b4: {  	v14 =	vor.u32 @!p0 s0, v14;
	v12 =	vsel @!p0 vm3, $0xBF800000, v12  }
0x1b5: {  	vm5 =	vgt.s32 @!p0 v14, v17;
	vm6 =	veq.f32 @!p0 v12, v18  }
0x1b6: {  	s1 =	simm.s32 @!p0 $0x2A00;
	vm7 =	vgt.f32 @!p0 v12, v18;
	vm5 =	vmand @!p0 vm5, vm6  }
0x1b7: {  	v13 =	vld.idx.msk @!p0 [tilespmem:v11+s1+$0x0], $0xffff;
	vm5 =	vmor @!p0 vm7, vm5  }
0x1b8: {  	vm6 =	vne.s32 @!p0 v11, v9;
	v11 =	vsel @!p0 vm5, v14, v17;
	v14 =	vsel @!p0 vm5, v12, v18  }
0x1b9: {  	v7 =	vadd.s32 v10, v7;
	v10 =	vld @!p0 [tilespmem:s0+$0x1800];
	[tilespmem:s0+$0x1400] =	vst @!p0 v12;
	vm7 =	vge.f32 @!p0 v12, $0.0e+00;
	v12 =	vpsel p0, v18, v14  }
0x1ba: {  	(xrf0) =	vmax.scan.msk.f32 $0xffff, v12;
	_ =	sdelay $0x1  }
0x1bb: {  	vm3 =	vmand @!p0 vm6, vm3;
	vm6 =	vlt.f32 @!p0 v13, $0.0e+00  }
0x1bc: {  	vm6 =	vmand @!p0 vm6, vm3  }
0x1bd: {  	v20 =	vimm.f32 @!p0 $0.0e+00;
	v10 =	vnsel @!p0 vm6, $0x0, v10  }
0x1be: {  	v9 =	vimm.s32 @!p0 $0x0;
	v13 =	vsel @!p0 vm6, $0x3F800000, v20;
	v10 =	vadd.f32 @!p0 v10, v15  }
0x1bf: {  	v9 =	vsel @!p0 vm7, $0x1, v9;
	v13 =	vadd.f32 @!p0 v13, v16;
	v14, _, _ =	vpop (xrf0)  }
0x1c0: {  	v20 =	vadd.s32 @!p0 v9, v19;
	v9 =	vpsel p0, v15, v10;
	v15 =	vbroadcast v14, $0xF  }
0x1c1: {  	vm3 =	vmor @!p0 vm4, vm3;
	v10 =	vpsel p0, v16, v13;
	v13 =	vpsel p0, v17, v11  }
0x1c2: {  	vm3 =	vmmov @p0 vm4;
	vm4 =	veq.f32 v12, v15;
	v12 =	vxor.u32 $0x80000000, v13  }
0x1c3: {  	v12 =	vnsel vm4, $0x1, v12  }
0x1c4: {  	v11 =	vpsel p0, v19, v20;
	(xrf0) =	vmax.scan.msk.u32 $0xffff, v12  }
0x1c5: {  	(xrf0) =	vadd.scan.msk.s32 $0xffff, v11;
	_ =	sdelay $0x4  }
0x1c6: {  	(xrf2) =	vadd.scan.msk.f32 $0xffff, v10;
	(v2sf) =	vpush v14, $0xF;
	v10, _, _ =	vpop (xrf0)  }
0x1c7: {  	(v2sf) =	vpush v10, $0xF;
	v10, _, _ =	vpop (xrf0)  }
0x1c8: {  	(v2sf) =	vpush v10, $0xF;
	_ =	sdelay $0x7  }
0x1c9: {  	v10, _, _ =	vpop (xrf2)  }
0x1ca: {  	v10 =	vadd.f32 $9.999999970e-07, v10;
	_ =	sdelay $0x1  }
0x1cb: {  	(xrf2) =	vadd.scan.msk.f32 $0xffff, v9;
	v9 =	vbroadcast v10, $0xF;
	_ =	sdelay $0x1  }
0x1cc: {  	s6 =	spop (v2sf);
	(erf) = vrcp.f32 v9  }
0x1cd: {  	s31 =	spop (v2sf)  }
0x1ce: {  	s10 =	smul.u32 $0x3, s7;
	s9 =	spop (v2sf)  }
0x1cf: {  	s11 =	sshll.u32 s9, $0x2  }
0x1d0: {  	p0 =	sge.s32 s11, s10  }
.Ltmp10:
0x1d1: {  	_ = 	snop;
	(pc) =	sbr.rel @p0 .LBB2_14-.Ltmp10, $3  }
0x1d2: {  	_ =	sdelay $0x1  }
0x1d3: {  	v9, _, _ =	vpop (xrf2);
	s0 =	sxor.u32 $0x80000000, s31  }
0x1d4: {  	v10 =	vpop (erf);
	v15 =	vmov s0  }
0x1d5: {  	p0 =	slt.s32 s8, $0x1  }
.Ltmp11:
0x1d6: {  	_ = 	snop;
	(pc) =	sbr.rel @p0 .LBB2_13-.Ltmp11, $2  }
0x1d7: {  	_ =	sdelay $0x2  }
0x1d8: {  	v13 =	vimm.s32 $0x0  }
0x1d9: {  	s0 =	simm.s32 $0x1400  }
0x1da: {  	v11 =	vld [tilespmem:s0+$0x0];
	_ =	sdelay $0x4  }
0x1db: {  	vm4 =	vge.f32 v11, $0.0e+00  }
0x1dc: {  	v12 =	vsel vm4, $0x1, v2  }
0x1dd: {  	(xrf0) =	vadd.scan.msk.s32 $0xffff, v12;
	_ =	sdelay $0x5  }
0x1de: {  	v12, _, _ =	vpop (xrf0)  }
0x1df: {  	s1 =	simm.s32 $0x0;
	v12 =	vadd.s32 v12, v13  }
0x1e0: {  	v14 =	vadd.s32 $0xFFFFFFFF, v12;
	v12 =	vld [tilespmem:s1+$0x0];
	_ =	sdelay $0x4  }
0x1e1: {  	s3 =	simm.s32 $0x400;
	[tilespmem:v14+s2+$0x0] =	vst.idx.msk vm4, v12  }
0x1e2: {  	v12 =	vld [tilespmem:s3+$0x0];
	_ =	sdelay $0x4  }
0x1e3: {  	s4 =	simm.s32 $0x800;
	[tilespmem:v14+s18+$0x0] =	vst.idx.msk vm4, v12  }
0x1e4: {  	v12 =	vld [tilespmem:s4+$0x0];
	_ =	sdelay $0x4  }
0x1e5: {  	s15 =	simm.s32 $0xC00;
	[tilespmem:v14+s19+$0x0] =	vst.idx.msk vm4, v12  }
0x1e6: {  	v12 =	vld [tilespmem:s15+$0x0];
	_ =	sdelay $0x4  }
0x1e7: {  	s16 =	simm.s32 $0x1000;
	[tilespmem:v14+s20+$0x0] =	vst.idx.msk vm4, v12  }
0x1e8: {  	v12 =	vld [tilespmem:s16+$0x0];
	_ =	sdelay $0x4  }
0x1e9: {  	s28 =	simm.s32 $0x2400;
	[tilespmem:v14+s29+$0x0] =	vst.idx.msk vm4, v12  }
0x1ea: {  	v12 =	vld [tilespmem:s28+$0x0];
	_ =	sdelay $0x4  }
0x1eb: {  	s31 =	simm.s32 $0x1800;
	[tilespmem:v14+s22+$0x0] =	vst.idx.msk vm4, v12  }
0x1ec: {  	p0 =	sne.s32 s8, $0x1;
	v16 =	vld [tilespmem:s31+$0x0]  }
.Ltmp12:
0x1ed: {  	v12 =	vor.u32 s1, v3;
	(pc) =	sbr.rel @!p0 .LBB2_12-.Ltmp12, $4  }
0x1ee: {  	vm5 =	vlt.s32 v12, v15  }
0x1ef: {  	s12 =	simm.s32 $0x1810;
	v17 =	vmpcnt.ones.xlane vm4;
	vm5 =	vmand vm5, vm4  }
0x1f0: {  	s13 =	simm.s32 $0x10;
	s14 =	simm.s32 $0x810;
	s4 =	sadd.s32 $0xFFFFFFFF, s8;
	v12 =	vsel vm5, $0x1, v2  }
0x1f1: {  	s8 =	simm.s32 $0x2410;
	s15 =	simm.s32 $0xC10;
	s16 =	simm.s32 $0x1010;
	v12 =	vadd.s32 v12, v13;
	v13 =	vadd.s32 v13, v17;
	[tilespmem:v14+s5+$0x0] =	vst.idx.msk vm4, v16  }
.LBB2_11:
0x1f2: {  	[tilespmem:v14+s21+$0x0] =	vst.idx.msk vm4, v11;
	s0 =	sadd.s32 $0x10, s0;
	s1 =	sadd.s32 $0x10, s1;
	s3 =	sadd.s32 $0x10, s3;
	v14 =	vmov v13  }
0x1f3: {  	p0 =	sne.s32 s4, $0x1;
	s4 =	sadd.s32 $0xFFFFFFFF, s4;
	v11 =	vld [tilespmem:s0+$0x0];
	_ =	sdelay $0x3  }
0x1f4: {  	v16 =	vor.u32 s13, v3  }
0x1f5: {  	vm5 =	vlt.s32 v16, v15;
	vm4 =	vge.f32 v11, $0.0e+00  }
0x1f6: {  	v16 =	vsel vm4, $0x1, v2;
	vm5 =	vmand vm5, vm4;
	v17 =	vmpcnt.ones.xlane vm4  }
0x1f7: {  	v18 =	vsel vm5, $0x1, v2;
	(xrf0) =	vadd.scan.msk.s32 $0xffff, v16  }
0x1f8: {  	v12 =	vadd.s32 v18, v12;
	v13 =	vadd.s32 v13, v17;
	_ =	sdelay $0x4  }
0x1f9: {  	v16, _, _ =	vpop (xrf0)  }
0x1fa: {  	v14 =	vadd.s32 v16, v14  }
0x1fb: {  	v14 =	vadd.s32 $0xFFFFFFFF, v14;
	v16 =	vld [tilespmem:s1+$0x0];
	_ =	sdelay $0x4  }
0x1fc: {  	[tilespmem:v14+s2+$0x0] =	vst.idx.msk vm4, v16  }
0x1fd: {  	v16 =	vld [tilespmem:s3+$0x0];
	_ =	sdelay $0x4  }
0x1fe: {  	[tilespmem:v14+s18+$0x0] =	vst.idx.msk vm4, v16  }
0x1ff: {  	v16 =	vld [tilespmem:s14+$0x0];
	_ =	sdelay $0x4  }
0x200: {  	[tilespmem:v14+s19+$0x0] =	vst.idx.msk vm4, v16  }
0x201: {  	v16 =	vld [tilespmem:s15+$0x0];
	_ =	sdelay $0x4  }
0x202: {  	[tilespmem:v14+s20+$0x0] =	vst.idx.msk vm4, v16  }
0x203: {  	v16 =	vld [tilespmem:s16+$0x0];
	_ =	sdelay $0x4  }
0x204: {  	[tilespmem:v14+s29+$0x0] =	vst.idx.msk vm4, v16  }
0x205: {  	v16 =	vld [tilespmem:s8+$0x0];
	_ =	sdelay $0x4  }
0x206: {  	[tilespmem:v14+s22+$0x0] =	vst.idx.msk vm4, v16  }
0x207: {  	v16 =	vld [tilespmem:s12+$0x0]  }
.Ltmp13:
0x208: {  	(pc) =	sbr.rel @p0 .LBB2_11-.Ltmp13, $3  }
0x209: {  	_ =	sdelay $0x1  }
0x20a: {  	s13 =	sadd.s32 $0x10, s13;
	s8 =	sadd.s32 $0x10, s8;
	s12 =	sadd.s32 $0x10, s12  }
0x20b: {  	s14 =	sadd.s32 $0x10, s14;
	s15 =	sadd.s32 $0x10, s15;
	s16 =	sadd.s32 $0x10, s16;
	[tilespmem:v14+s5+$0x0] =	vst.idx.msk vm4, v16  }
.Ltmp14:
0x20c: {  	_ = 	snop;
	(pc) =	sbr.rel .LBB2_12-.Ltmp14, $1  }
0x20d: {  	_ =	sdelay $0x3  }
.LBB2_21:
.Ltmp15:
0x20e: {  	(pc) =	sbr.rel .LBB2_26-.Ltmp15, $3  }
0x20f: {  	_ =	sdelay $0x1  }
0x210: {  	v27 =	vimm.f32 $-2.000000000e+00;
	v28 =	vimm.s32 $0xFFFFFFFF;
	v29 =	vimm.f32 $0.0e+00  }
0x211: {  	v30 =	vimm.f32 $0.0e+00;
	vm4 =	vmmov vm2;
	v26 =	vimm.s32 $0x0;
	s4 =	simm.s32 $0x1410;
	s3 =	simm.s32 $0x0;
	s6 =	simm.s32 $0x1810  }
.LBB2_23:
.Ltmp16:
0x212: {  	(pc) =	sbr.rel .LBB2_26-.Ltmp16, $3  }
0x213: {  	_ =	sdelay $0x1  }
0x214: {  	v27 =	vimm.f32 $-2.000000000e+00;
	v28 =	vimm.s32 $0xFFFFFFFF;
	v29 =	vimm.f32 $0.0e+00  }
0x215: {  	v30 =	vimm.f32 $0.0e+00;
	vm4 =	vmmov vm2;
	v26 =	vimm.s32 $0x0;
	s4 =	simm.s32 $0x1410;
	s3 =	simm.s32 $0x0;
	v33 =	vmovc v23;
	v32 =	vmovc v22;
	s6 =	simm.s32 $0x1810  }
.LBB2_15:
0x216: {  	v7 =	vcvt.s32.f32 v7;
	_ =	sdelay $0x1  }
0x217: {  	s6 =	rddreg [dreg:$0x2];
	v9 =	vadd.f32 $9.999999970e-07, v7;
	v7 =	vadd.f32 $9.999999970e-07, v8  }
.LBB2_16:
0x218: {  	s0 =	simm.s32 $0x0  }
0x219: {  	v8 =	vld [tilespmem:s0+$0x1C00];
	_ =	sdelay $0x4  }
0x21a: {  	v8 =	vadd.f32 $5.000000000e-01, v8;
	_ =	sdelay $0x1  }
0x21b: {  	v10 =	vand.u32 $0x7FFFFF, v8  }
0x21c: {  	s9 =	simm.s32 $0x10;
	v10 =	vor.u32 $0x3F800000, v10  }
0x21d: {  	v11 =	vld [tilespmem:s9+$0x1C00];
	v12 =	vmul.f32 $5.000000000e-01, v10  }
0x21e: {  	vm3 =	vgt.f32 v10, $1.414213540e+00  }
0x21f: {  	v10 =	vsel vm3, v12, v10  }
0x220: {  	v12 =	vadd.f32 $1.000000000e+00, v10;
	_ =	sdelay $0x1  }
0x221: {  	v11 =	vadd.f32 $5.000000000e-01, v11;
	(erf) = vrcp.f32 v12;
	_ =	sdelay $0x1  }
0x222: {  	v12 =	vand.u32 $0x7FFFFF, v11  }
0x223: {  	s7 =	simm.s32 $0x20;
	v12 =	vor.u32 $0x3F800000, v12  }
0x224: {  	v14 =	vld [tilespmem:s7+$0x1C00];
	v13 =	vmul.f32 $5.000000000e-01, v12  }
0x225: {  	vm4 =	vgt.f32 v12, $1.414213540e+00  }
0x226: {  	v12 =	vsel vm4, v13, v12  }
0x227: {  	v13 =	vadd.f32 $1.000000000e+00, v12  }
0x228: {  	v10 =	vadd.f32 $-1.000000000e+00, v10  }
0x229: {  	v15 =	vpop (erf);
	(erf) = vrcp.f32 v13;
	v13 =	vadd.f32 $5.000000000e-01, v14  }
0x22a: {  	v8 =	vshra.s32 v8, $0x17;
	v14 =	vmul.f32 v15, v10;
	v10 =	vsel vm3, $0x1, v2  }
0x22b: {  	s8 =	simm.s32 $0x30;
	v8 =	vadd.s32 v10, v8;
	v10 =	vand.u32 $0x7FFFFF, v13  }
0x22c: {  	s10 =	simm.s32 $0x40;
	v15 =	vld [tilespmem:s8+$0x1C00];
	v16 =	vmul.f32 v14, v14;
	v10 =	vor.u32 $0x3F800000, v10  }
0x22d: {  	v21 =	vld [tilespmem:s10+$0x1C00];
	v11 =	vshra.s32 v11, $0x17;
	v8 =	vadd.s32 $0xFFFFFF81, v8;
	v18 =	vmul.f32 $5.000000000e-01, v10  }
0x22e: {  	v19 =	vcvt.s32.f32 v8;
	v8 =	vsel vm4, $0x1, v2;
	v17 =	vmul.f32 $2.222222240e-01, v16  }
0x22f: {  	vm3 =	vgt.f32 v10, $1.414213540e+00;
	v8 =	vadd.s32 v8, v11  }
0x230: {  	v12 =	vadd.f32 $-1.000000000e+00, v12;
	v10 =	vsel vm3, v18, v10;
	v17 =	vadd.f32 $2.857142980e-01, v17  }
0x231: {  	v11 =	vadd.f32 $5.000000000e-01, v15;
	v15 =	vadd.f32 $1.000000000e+00, v10  }
0x232: {  	v21 =	vadd.f32 $5.000000000e-01, v21;
	v18 =	vadd.s32 $0xFFFFFF81, v8;
	v17 =	vmul.f32 v17, v16;
	v8 =	vpop (erf)  }
0x233: {  	v20 =	vand.u32 $0x7FFFFF, v11;
	(erf) = vrcp.f32 v15;
	v8 =	vmul.f32 v8, v12  }
0x234: {  	v13 =	vshra.s32 v13, $0x17;
	v15 =	vor.u32 $0x3F800000, v20;
	v17 =	vadd.f32 $4.000000060e-01, v17  }
0x235: {  	v12 =	vcvt.s32.f32 v18;
	v18 =	vsel vm3, $0x1, v2;
	v20 =	vmul.f32 v8, v8  }
0x236: {  	v23 =	vmul.f32 $5.000000000e-01, v15;
	vm3 =	vgt.f32 v15, $1.414213540e+00;
	v17 =	vmul.f32 v17, v16  }
0x237: {  	v13 =	vadd.s32 v18, v13;
	v18 =	vmul.f32 $6.931471820e-01, v19;
	v22 =	vmul.f32 $2.222222240e-01, v20  }
0x238: {  	v19 =	vshra.s32 v11, $0x17;
	v13 =	vadd.s32 $0xFFFFFF81, v13;
	v17 =	vadd.f32 $6.666666860e-01, v17  }
0x239: {  	v15 =	vsel vm3, v23, v15;
	v11 =	vcvt.s32.f32 v13;
	v13 =	vadd.f32 $2.857142980e-01, v22  }
0x23a: {  	v10 =	vadd.f32 $-1.000000000e+00, v10;
	v25 =	vsel vm3, $0x1, v2;
	v16 =	vmul.f32 v17, v16  }
0x23b: {  	s3 =	simm.s32 $0x50;
	v19 =	vadd.s32 v25, v19;
	v23 =	vadd.f32 $1.000000000e+00, v15;
	v13 =	vmul.f32 v13, v20  }
0x23c: {  	v24 =	vld [tilespmem:s3+$0x1C00];
	v22 =	vand.u32 $0x7FFFFF, v21;
	v17 =	vadd.f32 $-1.000000000e+00, v15;
	v15 =	vpop (erf);
	v16 =	vadd.f32 $2.000000000e+00, v16  }
0x23d: {  	(erf) = vrcp.f32 v23;
	v10 =	vmul.f32 v15, v10;
	v15 =	vadd.f32 $4.000000060e-01, v13  }
0x23e: {  	v22 =	vor.u32 $0x3F800000, v22;
	v13 =	vmul.f32 $6.931471820e-01, v12;
	v23 =	vmul.f32 v16, v14  }
0x23f: {  	v62 =	vld [tilespmem:s0+$0x2000];
	v12 =	vadd.s32 $0xFFFFFF81, v19;
	v14 =	vmul.f32 v10, v10;
	v19 =	vmul.f32 v15, v20  }
0x240: {  	vm3 =	vgt.f32 v22, $1.414213540e+00;
	v16 =	vshra.s32 v21, $0x17;
	v18 =	vadd.f32 v23, v18  }
0x241: {  	v15 =	vadd.f32 $5.000000000e-01, v24;
	v21 =	vmul.f32 $2.222222240e-01, v14;
	v19 =	vadd.f32 $6.666666860e-01, v19  }
0x242: {  	v12 =	vcvt.s32.f32 v12;
	v23 =	vmul.f32 $5.000000000e-01, v22;
	v63 =	vsub.f32 $0.0e+00, v18  }
0x243: {  	v18 =	vand.u32 $0x7FFFFF, v15;
	v21 =	vadd.f32 $2.857142980e-01, v21;
	v20 =	vmul.f32 v19, v20  }
0x244: {  	s0 =	simm.s32 $0x180;
	v22 =	vsel vm3, v23, v22;
	v18 =	vor.u32 $0x3F800000, v18;
	v19 =	vmul.f32 v63, v62  }
.LBB2_17:
0x245: {  	s1 =	sshra.s32 s0, $0x2;
	p0 =	sne.s32 s0, $0xF80;
	s0 =	sadd.s32 $0x40, s0;
	v23 =	vadd.f32 $1.000000000e+00, v22;
	v21 =	vmul.f32 v21, v14;
	v20 =	vadd.f32 $2.000000000e+00, v20  }
0x246: {  	v25 =	vsel vm3, $0x1, v2;
	v22 =	vadd.f32 $-1.000000000e+00, v22;
	v24 =	vld [tilespmem:s1+$0x1C00];
	v26 =	vpop (erf);
	v6 =	vadd.f32 v19, v6  }
0x247: {  	(erf) = vrcp.f32 v23;
	v19 =	vmul.f32 v26, v17;
	v21 =	vadd.f32 $4.000000060e-01, v21  }
0x248: {  	v16 =	vadd.s32 v25, v16;
	v23 =	vmul.f32 $6.931471820e-01, v11;
	v20 =	vmul.f32 v20, v8;
	v17 =	vmovc v22;
	v8 =	vmovc v10;
	v25 =	vld [tilespmem:s9+$0x2000];
	s9 =	smov.u32 s7;
	s7 =	smov.u32 s8;
	s8 =	smov.u32 s10  }
0x249: {  	v22 =	vadd.s32 $0xFFFFFF81, v16;
	v11 =	vmovc v12;
	s10 =	smov.u32 s3;
	s3 =	smov.u32 s1;
	v26 =	vmul.f32 v19, v19;
	v21 =	vmul.f32 v21, v14;
	v10 =	vmovc v19  }
.Ltmp17:
0x24a: {  	v16 =	vshra.s32 v15, $0x17;
	v12 =	vcvt.s32.f32 v22;
	v19 =	vadd.f32 v20, v13;
	v13 =	vmovc v23;
	(pc) =	sbr.rel @p0 .LBB2_17-.Ltmp17, $4  }
0x24b: {  	v15 =	vadd.f32 $5.000000000e-01, v24;
	v20 =	vmul.f32 $2.222222240e-01, v26;
	v22 =	vadd.f32 $6.666666860e-01, v21  }
0x24c: {  	vm3 =	vgt.f32 v18, $1.414213540e+00;
	v23 =	vmul.f32 $5.000000000e-01, v18;
	v19 =	vsub.f32 $0.0e+00, v19  }
0x24d: {  	v24 =	vand.u32 $0x7FFFFF, v15;
	v21 =	vadd.f32 $2.857142980e-01, v20;
	v20 =	vmul.f32 v22, v14;
	v14 =	vmovc v26  }
0x24e: {  	v22 =	vsel vm3, v23, v18;
	v19 =	vmul.f32 v19, v25;
	v18 =	vor.u32 $0x3F800000, v24  }
0x24f: {  	v23 =	vmul.f32 $5.000000000e-01, v18  }
0x250: {  	v24 =	vadd.f32 $1.000000000e+00, v22;
	vm4 =	vgt.f32 v18, $1.414213540e+00  }
0x251: {  	v18 =	vsel vm4, v23, v18  }
0x252: {  	(erf) = vrcp.f32 v24;
	v23 =	vadd.f32 $1.000000000e+00, v18;
	_ =	sdelay $0x1  }
0x253: {  	(erf) = vrcp.f32 v23;
	_ =	sdelay $0x3  }
0x254: {  	v34 =	vpop (erf)  }
0x255: {  	v17 =	vmul.f32 v34, v17  }
0x256: {  	v35 =	vadd.f32 $-1.000000000e+00, v22  }
0x257: {  	v23 =	vmul.f32 v17, v17;
	v25 =	vpop (erf)  }
0x258: {  	v18 =	vadd.f32 $-1.000000000e+00, v18;
	v22 =	vmul.f32 v25, v35  }
0x259: {  	v36 =	vmul.f32 $2.222222240e-01, v23;
	v37 =	vpop (erf)  }
0x25a: {  	v26 =	vmul.f32 v22, v22;
	v18 =	vmul.f32 v37, v18  }
0x25b: {  	v21 =	vmul.f32 v21, v14;
	v28 =	vsel vm3, $0x1, v2;
	v20 =	vadd.f32 $2.000000000e+00, v20  }
0x25c: {  	v24 =	vadd.f32 $2.857142980e-01, v36;
	v38 =	vmul.f32 $2.222222240e-01, v26;
	v27 =	vmul.f32 v18, v18  }
0x25d: {  	v11 =	vmul.f32 $6.931471820e-01, v11;
	v15 =	vshra.s32 v15, $0x17;
	v21 =	vadd.f32 $4.000000060e-01, v21  }
0x25e: {  	v24 =	vmul.f32 v24, v23;
	v25 =	vadd.f32 $2.857142980e-01, v38;
	v29 =	vmul.f32 $2.222222240e-01, v27  }
0x25f: {  	v12 =	vmul.f32 $6.931471820e-01, v12;
	v6 =	vadd.f32 v19, v6;
	v21 =	vmul.f32 v21, v14  }
0x260: {  	v24 =	vadd.f32 $4.000000060e-01, v24;
	v41 =	vmul.f32 v25, v26;
	v42 =	vadd.f32 $2.857142980e-01, v29  }
0x261: {  	v16 =	vadd.s32 v28, v16;
	v49 =	vsel vm4, $0x1, v2;
	v40 =	vadd.f32 $6.666666860e-01, v21  }
0x262: {  	v39 =	vmul.f32 v24, v23;
	v45 =	vadd.f32 $4.000000060e-01, v41;
	v46 =	vmul.f32 v42, v27  }
0x263: {  	v8 =	vmul.f32 v20, v8;
	v16 =	vadd.s32 $0xFFFFFF81, v16;
	v44 =	vmul.f32 v40, v14  }
0x264: {  	v19 =	vadd.f32 $6.666666860e-01, v39;
	v20 =	vmul.f32 v45, v26;
	v21 =	vadd.f32 $4.000000060e-01, v46  }
0x265: {  	v15 =	vadd.s32 v49, v15;
	v16 =	vcvt.s32.f32 v16;
	v14 =	vadd.f32 $2.000000000e+00, v44  }
0x266: {  	v43 =	vld [tilespmem:s9+$0x2000];
	v19 =	vmul.f32 v19, v23;
	v47 =	vadd.f32 $6.666666860e-01, v20;
	v48 =	vmul.f32 v21, v27  }
0x267: {  	v53 =	vadd.s32 $0xFFFFFF81, v15;
	v8 =	vadd.f32 v8, v13;
	v10 =	vmul.f32 v14, v10  }
0x268: {  	v51 =	vld [tilespmem:s7+$0x2000];
	v50 =	vadd.f32 $2.000000000e+00, v19;
	v13 =	vmul.f32 v47, v26;
	v20 =	vadd.f32 $6.666666860e-01, v48  }
0x269: {  	v56 =	vmul.f32 $6.931471820e-01, v16;
	v8 =	vsub.f32 $0.0e+00, v8;
	v10 =	vadd.f32 v10, v11  }
0x26a: {  	v52 =	vmul.f32 v50, v17;
	v13 =	vadd.f32 $2.000000000e+00, v13;
	v54 =	vmul.f32 v20, v27  }
0x26b: {  	v55 =	vld [tilespmem:s8+$0x2000];
	v8 =	vmul.f32 v8, v43;
	v14 =	vcvt.s32.f32 v53;
	v10 =	vsub.f32 $0.0e+00, v10  }
0x26c: {  	v11 =	vadd.f32 v52, v12;
	v13 =	vmul.f32 v13, v22;
	v15 =	vadd.f32 $2.000000000e+00, v54  }
0x26d: {  	v59 =	vld [tilespmem:s10+$0x2000];
	v6 =	vadd.f32 v8, v6;
	v14 =	vmul.f32 $6.931471820e-01, v14;
	v57 =	vmul.f32 v10, v51  }
0x26e: {  	v58 =	vsub.f32 $0.0e+00, v11;
	v12 =	vadd.f32 v13, v56;
	v60 =	vmul.f32 v15, v18  }
0x26f: {  	v61 =	vld [tilespmem:s3+$0x2000];
	v6 =	vadd.f32 v57, v6  }
0x270: {  	v10 =	vmul.f32 v58, v55;
	v12 =	vsub.f32 $0.0e+00, v12;
	v13 =	vadd.f32 v60, v14;
	_ =	sdelay $0x1  }
0x271: {  	v6 =	vadd.f32 v10, v6;
	v62 =	vmul.f32 v12, v59;
	v63 =	vsub.f32 $0.0e+00, v13;
	_ =	sdelay $0x1  }
0x272: {  	v6 =	vadd.f32 v62, v6;
	v8 =	vmul.f32 v63, v61;
	_ =	sdelay $0x1  }
0x273: {  	v6 =	vadd.f32 v8, v6;
	_ =	sdelay $0x1  }
0x274: {  	(xrf2) =	vadd.scan.msk.f32 $0xffff, v6;
	_ =	sdelay $0x2  }
0x275: {  	(erf) = vrcp.f32 v9  }
0x276: {  	(erf) = vrcp.f32 v7;
	_ =	sdelay $0x5  }
0x277: {  	v6, _, _ =	vpop (xrf2)  }
0x278: {  	v6 =	vbroadcast v6, $0xF  }
0x279: {  	v7 =	vpop (erf)  }
0x27a: {  	v6 =	vmul.f32 v6, v7;
	v7 =	vpop (erf)  }
0x27b: {  	v5 =	vmul.f32 v7, v5  }
0x27c: {  	v6 =	vsel vm0, $0x0, v6  }
0x27d: {  	v5 =	vsel vm1, v5, v6  }
0x27e: {  	s0 =	rddreg [dreg:$0xb];
	s1 =	simm.s32 $0x2C80;
	[tilespmem:$0x2C80] =	vst v5  }
0x27f: {  	[hbm4b:s0+s2] =	stream.linear.scatter [tilespmem:s1], [sflag:$0x1], $0x80, $0x38;
	[tilespmem:$0x2D00] =	vst v63  }
0x280: {  	_ =	swait.ge [sflag:s17], $0x80  }
0x281: {  	s28 =	rddreg [dreg:$0xe]  }
0x282: {  	s31 =	rddreg [dreg:$0xd];
	s1 =	sadd.s32 $0x1, s28  }
0x283: {  	p0 =	sne.s32 s1, s31  }
.Ltmp18:
0x284: {  	_ = 	snop;
	(pc) =	sbr.rel @p0 .LBB2_2-.Ltmp18, $3  }
0x285: {  	_ =	sdelay $0x1  }
0x286: {  	[sflag:s17] =	ssyncset.done $0x0  }
0x287: {  	[sflag:s17] =	ssyncadd.s32 $0xFFFFFF80  }
.LBB2_19:
0x288: {  	_ =	sfence.sel $0x180000  }
0x289: {  	[bflag:$0x0] =	sbarrier.arrive $0xFFFF  }
0x28a: {  	_ =	strace $0x90000047  }
0x28b: {  	s0 =	stileid.u32;
	[bflag:$0x2] =	sbarrier.arrive $0xFFFF  }
0x28c: {  	p0 =	sne.s32 s0, $0x0;
	s0 =	rddreg [dreg:$0x1]  }
0x28d: {  	s0 =	sadd.s32 @!p0 $0x100000, s0  }
0x28e: {  	[sflag:s0] =	ssyncadd.tile.s32 @!p0 $0x1;
	_ =	shalt  }
.Lfunc_end2:
_tile_overlayer_lowered:
.L_overlay_start_2:
0x28f: {  	(tag) =	ssettag $0x2  }
0x290: {  	s0 =	rddreg [dreg:$0x0];
	s2 =	stileid.u32  }
0x291: {  	s1 =	rddreg [dreg:$0x1];
	p0 =	sne.s32 s2, $0x0  }
0x292: {  	s3 =	rddreg [dreg:$0x2];
	[bflag:$0x3] =	sbarrier.arrive $0xFFFF;
	s2 =	simm.s32 @!p0 $0x1C01  }
0x293: {  	[timem:s3], [sflag:s2] =	dma.local @!p0 [hbm:s0], s1  }
0x294: {  	s0 =	simm.s32 @!p0 $0x1  }
0x295: {  	_ =	swait.ge @!p0 [sflag:s0], s1  }
0x296: {  	s1 =	ssub.s32 @!p0 $0x0, s1;
	[sflag:s0] =	ssyncset.done @!p0 $0x0  }
0x297: {  	[sflag:s0] =	ssyncadd.s32 @!p0 s1  }
0x298: {  	[bflag:$0x3] =	sbarrier.arrive $0xFFFF  }
0x299: {  	_ =	shalt  }

</sc_bundles>
